<compile_context>
chip_gen: v7x
topology: tpu7x:2x2x1
jax: 0.10.2.dev20260603
libtpu: 0.0.44.dev20260713+nightly
codegen_flags: <defaults>
</compile_context>

<pallas_src>
import functools

import jax
import jax.numpy as jnp
from jax import lax
from jax.experimental import pallas as pl
from jax.experimental.pallas import tpu as pltpu
from jax.experimental.pallas import tpu_sc as plsc

VOCAB = 1_000_000
WORLD = 4
MY_RANK = 1
PART = VOCAB // WORLD
LO = MY_RANK * PART
HI = LO + PART
EMB = 64
BATCH = 4096
SEQ = 200
NTOK = BATCH * SEQ

NC = 2
NS = 16
NW = NC * NS
PER_W = NTOK // NW
L = 16
C = 256
CZ = 512
NZ = PER_W // CZ
G = PER_W // L


@functools.partial(
    pl.kernel,
    out_type=jax.ShapeDtypeStruct((NTOK, EMB), jnp.float32),
    mesh=plsc.VectorSubcoreMesh(core_axis_name="c", subcore_axis_name="s"),
    compiler_params=pltpu.CompilerParams(
        use_tc_tiling_on_sc=False, needs_layout_passes=False),
    scratch_types=[
        pltpu.VMEM((PER_W,), jnp.int32),
        pltpu.VMEM((PER_W,), jnp.int32),
        pltpu.VMEM((CZ, EMB), jnp.float32),
        pltpu.VMEM((C, EMB), jnp.float32),
        pltpu.VMEM((C, EMB), jnp.float32),
        pltpu.SemaphoreType.DMA,
        pltpu.SemaphoreType.DMA,
        pltpu.SemaphoreType.DMA,
        pltpu.SemaphoreType.DMA,
        pltpu.SemaphoreType.DMA,
    ],
)
def _sc_gather(ids_hbm, tab_hbm, out_hbm, idv, dposc, zbuf, r0, r1,
               zsem, gs0, gs1, ws0, ws1):
    wid = lax.axis_index("s") * NC + lax.axis_index("c")
    base = wid * PER_W

    pltpu.sync_copy(ids_hbm.at[pl.ds(base, PER_W)], idv)

    zv = jnp.zeros((L,), jnp.float32)

    def zr(r, c2):
        for k in range(EMB // L):
            zbuf[r, pl.ds(k * L, L)] = zv
        return c2

    lax.fori_loop(0, CZ, zr, 0)

    for i in range(NZ):
        pltpu.async_copy(zbuf, out_hbm.at[pl.ds(base + i * CZ, CZ)], zsem)

    ii = lax.iota(jnp.int32, L)

    def comp(i, cnt):
        v = idv[pl.ds(i * L, L)]
        m = (v >= LO) & (v < HI)
        plsc.store_compressed(idv.at[pl.ds(cnt, L)], v - LO, mask=m)
        plsc.store_compressed(dposc.at[pl.ds(cnt, L)], (base + i * L) + ii, mask=m)
        return cnt + jnp.sum(m.astype(jnp.int32))

    cnt = lax.fori_loop(0, G, comp, jnp.int32(0))

    neg = jnp.int32(-2147483648)
    s0 = jnp.max(jnp.where(ii == 0, idv[pl.ds(0, L)], neg))
    p0 = jnp.max(jnp.where(ii == 0, dposc[pl.ds(0, L)], neg))
    sidpad = jnp.full((L,), s0, jnp.int32)
    dpospad = jnp.full((L,), p0, jnp.int32)

    @pl.when((cnt & 15) != 0)
    def _():
        gg = (cnt >> 4) << 4
        keep = (gg + ii) < cnt
        idv[pl.ds(gg, L)] = jnp.where(keep, idv[pl.ds(gg, L)], sidpad)
        dposc[pl.ds(gg, L)] = jnp.where(keep, dposc[pl.ds(gg, L)], dpospad)

    nfull = (cnt + (C - 1)) >> 8
    glo = (cnt + 15) >> 4
    ghi = nfull << 4

    def padg(g, c2):
        idv[pl.ds(g * L, L)] = sidpad
        dposc[pl.ds(g * L, L)] = dpospad
        return c2

    lax.fori_loop(glo, ghi, padg, 0)

    def gat(j, rb, sb):
        pltpu.async_copy(tab_hbm.at[idv.at[pl.ds(j * C, C)]], rb, sb)

    def wat_g(rb, sb):
        pltpu.make_async_copy(tab_hbm.at[idv.at[pl.ds(0, C)]], rb, sb).wait()

    def sca(j, rb, sb):
        pltpu.async_copy(rb, out_hbm.at[dposc.at[pl.ds(j * C, C)]], sb)

    def wat_w(rb, sb):
        pltpu.make_async_copy(rb, out_hbm.at[dposc.at[pl.ds(0, C)]], sb).wait()

    @pl.when(nfull > 0)
    def _():
        gat(0, r0, gs0)

    @pl.when(nfull > 1)
    def _():
        gat(1, r1, gs1)

    for i in range(NZ):
        pltpu.make_async_copy(zbuf, out_hbm.at[pl.ds(base, CZ)], zsem).wait()

    def step(g, c2):
        j0 = 2 * g
        j1 = 2 * g + 1

        @pl.when(j0 < nfull)
        def _():
            wat_g(r0, gs0)
            sca(j0, r0, ws0)

        @pl.when(j1 < nfull)
        def _():
            wat_g(r1, gs1)
            sca(j1, r1, ws1)

        @pl.when(j0 + 2 < nfull)
        def _():
            wat_w(r0, ws0)
            gat(j0 + 2, r0, gs0)

        @pl.when(j1 + 2 < nfull)
        def _():
            wat_w(r1, ws1)
            gat(j1 + 2, r1, gs1)

        return c2

    lax.fori_loop(0, (nfull + 1) >> 1, step, 0)

    @pl.when(nfull > 0)
    def _():
        wat_w(r0, ws0)

    @pl.when(nfull > 1)
    def _():
        wat_w(r1, ws1)


def kernel(input_ids, tr):
    ids = input_ids.reshape(NTOK)
    out = _sc_gather(ids, tr)
    return out.reshape(BATCH, SEQ, EMB)

# --- scband reference (transcript-rebuilt; emitter-appended) ---
"""Pipeline reference for scband-parallel-vocab-embedding-76699525972677 (READ-ONLY COPY).

The authoritative reference and input builder live on the scoring server;
editing this copy changes nothing except your own understanding.
"""

import jax, jax.numpy as jnp
import numpy as np

VOCAB = 1000000
WORLD = 4
RANK = 1
PART = VOCAB // WORLD  # 250000
EMB = 64
BATCH = 4096
SEQ = 200
INIT_MEAN = 0.0
INIT_STD = 1.0


def setup_inputs(seed: int = 0) -> dict:
    key = jax.random.key(seed)
    k_ids, k_tr = jax.random.split(key)
    input_ids = jax.random.randint(k_ids, (BATCH, SEQ), 0, VOCAB, dtype=jnp.int32)
    # learned partial embedding table for this rank: (partial_vocab_size, emb_size)
    tr = INIT_MEAN + INIT_STD * jax.random.normal(k_tr, (PART, EMB), dtype=jnp.float32)
    return {"input_ids": input_ids, "tr": tr}


def reference(input_ids, tr):
    # faithful translation of ParallelVocabEmbedding.forward for a single rank
    lowerbound = RANK * PART
    upperbound = lowerbound + PART - 1
    mask = (input_ids >= lowerbound) & (input_ids <= upperbound)
    new_id = input_ids - lowerbound
    # clamp out-of-shard ids to 0 for the gather (they are zeroed afterwards),
    # equivalent to torch's output[mask] = tr[new_id[mask]] on a zero-init output
    safe_id = jnp.where(mask, new_id, 0)
    gathered = jnp.take(tr, safe_id, axis=0)  # (BATCH, SEQ, EMB)
    output = jnp.where(mask[..., None], gathered, jnp.zeros((), dtype=tr.dtype))
    return output

if __name__ == "__main__":
    import jax
    _d = setup_inputs()
    print(jax.jit(kernel)(*tuple(_d.values())))

</pallas_src>

<mosaic_0001>
#map = affine_map<(d0, d1) -> (0)>
#map1 = affine_map<(d0, d1) -> (0, 0)>
module attributes {stable_mosaic.version = 14 : i64} {
  func.func @_sc_gather(%arg0: i32, %arg1: i32, %arg2: memref<819200xi32, #tpu.memory_space<hbm>>, %arg3: memref<250000x64xf32, #tpu.memory_space<hbm>>, %arg4: memref<819200x64xf32, #tpu.memory_space<hbm>>, %arg5: memref<25600xi32, #tpu.memory_space<vmem>>, %arg6: memref<25600xi32, #tpu.memory_space<vmem>>, %arg7: memref<512x64xf32, #tpu.memory_space<vmem>>, %arg8: memref<256x64xf32, #tpu.memory_space<vmem>>, %arg9: memref<256x64xf32, #tpu.memory_space<vmem>>, %arg10: memref<!tpu.dma_semaphore, #tpu.memory_space<semaphore_mem>>, %arg11: memref<!tpu.dma_semaphore, #tpu.memory_space<semaphore_mem>>, %arg12: memref<!tpu.dma_semaphore, #tpu.memory_space<semaphore_mem>>, %arg13: memref<!tpu.dma_semaphore, #tpu.memory_space<semaphore_mem>>, %arg14: memref<!tpu.dma_semaphore, #tpu.memory_space<semaphore_mem>>) attributes {dimension_semantics = [#tpu.dimension_semantics<core_parallel>, #tpu.dimension_semantics<subcore_parallel>], iteration_bounds = array<i64: 2, 16>, scalar_prefetch = 0 : i64, scratch_operands = 10 : i64, tpu.core_type = #tpu.core_type<sc_vector_subcore>, window_params = [{transform_indices = #map}, {transform_indices = #map1}, {transform_indices = #map1}]} {
    %mul3A = arith.constant 2 : i32
    %mul3A_0 = arith.muli %arg1, %mul3A : i32
    %add3A = arith.addi %mul3A_0, %arg0 : i32
    %mul3A_1 = arith.constant 25600 : i32
    %mul3A_2 = arith.muli %add3A, %mul3A_1 : i32
    "tpu.region"() ({
      %run_scoped3A = tpu.sem_alloc : memref<!tpu.dma_semaphore, #tpu.memory_space<semaphore_mem>>
      %dma_start3A_595 = tpu.memref_slice %arg2[%mul3A_2] : memref<819200xi32, #tpu.memory_space<hbm>> -> memref<25600xi32, #tpu.memory_space<hbm>>
      %dma_start3A_596 = tpu.memref_slice %arg2[%mul3A_2] : memref<819200xi32, #tpu.memory_space<hbm>> -> memref<25600xi32, #tpu.memory_space<hbm>>
      tpu.enqueue_dma source(%dma_start3A_596 : memref<25600xi32, #tpu.memory_space<hbm>>) target(%arg5 : memref<25600xi32, #tpu.memory_space<vmem>>) target_semaphore(%run_scoped3A : memref<!tpu.dma_semaphore, #tpu.memory_space<semaphore_mem>>)
      %dma_wait3A_597 = tpu.memref_slice %arg2[%mul3A_2] : memref<819200xi32, #tpu.memory_space<hbm>> -> memref<25600xi32, #tpu.memory_space<hbm>>
      %dma_wait3A_598 = tpu.memref_slice %arg2[%mul3A_2] : memref<819200xi32, #tpu.memory_space<hbm>> -> memref<25600xi32, #tpu.memory_space<hbm>>
      tpu.wait_dma2 semaphore(%run_scoped3A : memref<!tpu.dma_semaphore, #tpu.memory_space<semaphore_mem>>) src(%dma_wait3A_598 : memref<25600xi32, #tpu.memory_space<hbm>>) dst(%arg5 : memref<25600xi32, #tpu.memory_space<vmem>>)
      tpu.yield
    }) : () -> ()
    %broadcast_in_dim3A = arith.constant 0.000000e+00 : f32
    %broadcast_in_dim3A_3 = vector.broadcast %broadcast_in_dim3A : f32 to vector<16xf32>
    %scan3A = arith.constant 0 : i32
    %scan3A_4 = arith.constant 0 : i32
    %scan3A_5 = arith.constant 512 : i32
    %scan3A_6 = arith.addi %scan3A_4, %scan3A_5 : i32
    %scan3A_7 = arith.constant 1 : i32
    scf.for %scan3A_595 = %scan3A_4 to %scan3A_6 step %scan3A_7  : i32 {
      %swap3A = arith.index_cast %scan3A_595 : i32 to index
      %swap3A_596 = arith.constant 0 : index
      %swap3A_597 = tpu.vector_load %arg7[%swap3A, %swap3A_596] {strides = array<i32>} : memref<512x64xf32, #tpu.memory_space<vmem>>, vector<16xf32>,
      tpu.vector_store %arg7[%swap3A, %swap3A_596], %broadcast_in_dim3A_3 {strides = array<i32>} : memref<512x64xf32, #tpu.memory_space<vmem>>, vector<16xf32>,
      %swap3A_598 = arith.index_cast %scan3A_595 : i32 to index
      %swap3A_599 = arith.constant 16 : index
      %swap3A_600 = tpu.vector_load %arg7[%swap3A_598, %swap3A_599] {strides = array<i32>} : memref<512x64xf32, #tpu.memory_space<vmem>>, vector<16xf32>,
      tpu.vector_store %arg7[%swap3A_598, %swap3A_599], %broadcast_in_dim3A_3 {strides = array<i32>} : memref<512x64xf32, #tpu.memory_space<vmem>>, vector<16xf32>,
      %swap3A_601 = arith.index_cast %scan3A_595 : i32 to index
      %swap3A_602 = arith.constant 32 : index
      %swap3A_603 = tpu.vector_load %arg7[%swap3A_601, %swap3A_602] {strides = array<i32>} : memref<512x64xf32, #tpu.memory_space<vmem>>, vector<16xf32>,
      tpu.vector_store %arg7[%swap3A_601, %swap3A_602], %broadcast_in_dim3A_3 {strides = array<i32>} : memref<512x64xf32, #tpu.memory_space<vmem>>, vector<16xf32>,
      %swap3A_604 = arith.index_cast %scan3A_595 : i32 to index
      %swap3A_605 = arith.constant 48 : index
      %swap3A_606 = tpu.vector_load %arg7[%swap3A_604, %swap3A_605] {strides = array<i32>} : memref<512x64xf32, #tpu.memory_space<vmem>>, vector<16xf32>,
      tpu.vector_store %arg7[%swap3A_604, %swap3A_605], %broadcast_in_dim3A_3 {strides = array<i32>} : memref<512x64xf32, #tpu.memory_space<vmem>>, vector<16xf32>,
    }
    %scan3A_8 = arith.constant 512 : i32
    %add3A_9 = arith.constant 0 : i32
    %add3A_10 = arith.addi %mul3A_2, %add3A_9 : i32
    %dma_start3A = arith.constant 0 : i32
    %dma_start3A_11 = tpu.memref_slice %arg4[%add3A_10, %dma_start3A] : memref<819200x64xf32, #tpu.memory_space<hbm>> -> memref<512x64xf32, #tpu.memory_space<hbm>>
    %dma_start3A_12 = arith.constant 0 : i32
    %dma_start3A_13 = tpu.memref_slice %arg4[%add3A_10, %dma_start3A_12] : memref<819200x64xf32, #tpu.memory_space<hbm>> -> memref<512x64xf32, #tpu.memory_space<hbm>>
    tpu.enqueue_dma source(%arg7 : memref<512x64xf32, #tpu.memory_space<vmem>>) target(%dma_start3A_13 : memref<512x64xf32, #tpu.memory_space<hbm>>) target_semaphore(%arg10 : memref<!tpu.dma_semaphore, #tpu.memory_space<semaphore_mem>>)
    %add3A_14 = arith.constant 512 : i32
    %add3A_15 = arith.addi %mul3A_2, %add3A_14 : i32
    %dma_start3A_16 = arith.constant 0 : i32
    %dma_start3A_17 = tpu.memref_slice %arg4[%add3A_15, %dma_start3A_16] : memref<819200x64xf32, #tpu.memory_space<hbm>> -> memref<512x64xf32, #tpu.memory_space<hbm>>
    %dma_start3A_18 = arith.constant 0 : i32
    %dma_start3A_19 = tpu.memref_slice %arg4[%add3A_15, %dma_start3A_18] : memref<819200x64xf32, #tpu.memory_space<hbm>> -> memref<512x64xf32, #tpu.memory_space<hbm>>
    tpu.enqueue_dma source(%arg7 : memref<512x64xf32, #tpu.memory_space<vmem>>) target(%dma_start3A_19 : memref<512x64xf32, #tpu.memory_space<hbm>>) target_semaphore(%arg10 : memref<!tpu.dma_semaphore, #tpu.memory_space<semaphore_mem>>)
    %add3A_20 = arith.constant 1024 : i32
    %add3A_21 = arith.addi %mul3A_2, %add3A_20 : i32
    %dma_start3A_22 = arith.constant 0 : i32
    %dma_start3A_23 = tpu.memref_slice %arg4[%add3A_21, %dma_start3A_22] : memref<819200x64xf32, #tpu.memory_space<hbm>> -> memref<512x64xf32, #tpu.memory_space<hbm>>
    %dma_start3A_24 = arith.constant 0 : i32
    %dma_start3A_25 = tpu.memref_slice %arg4[%add3A_21, %dma_start3A_24] : memref<819200x64xf32, #tpu.memory_space<hbm>> -> memref<512x64xf32, #tpu.memory_space<hbm>>
    tpu.enqueue_dma source(%arg7 : memref<512x64xf32, #tpu.memory_space<vmem>>) target(%dma_start3A_25 : memref<512x64xf32, #tpu.memory_space<hbm>>) target_semaphore(%arg10 : memref<!tpu.dma_semaphore, #tpu.memory_space<semaphore_mem>>)
    %add3A_26 = arith.constant 1536 : i32
    %add3A_27 = arith.addi %mul3A_2, %add3A_26 : i32
    %dma_start3A_28 = arith.constant 0 : i32
    %dma_start3A_29 = tpu.memref_slice %arg4[%add3A_27, %dma_start3A_28] : memref<819200x64xf32, #tpu.memory_space<hbm>> -> memref<512x64xf32, #tpu.memory_space<hbm>>
    %dma_start3A_30 = arith.constant 0 : i32
    %dma_start3A_31 = tpu.memref_slice %arg4[%add3A_27, %dma_start3A_30] : memref<819200x64xf32, #tpu.memory_space<hbm>> -> memref<512x64xf32, #tpu.memory_space<hbm>>
    tpu.enqueue_dma source(%arg7 : memref<512x64xf32, #tpu.memory_space<vmem>>) target(%dma_start3A_31 : memref<512x64xf32, #tpu.memory_space<hbm>>) target_semaphore(%arg10 : memref<!tpu.dma_semaphore, #tpu.memory_space<semaphore_mem>>)
    %add3A_32 = arith.constant 2048 : i32
    %add3A_33 = arith.addi %mul3A_2, %add3A_32 : i32
    %dma_start3A_34 = arith.constant 0 : i32
    %dma_start3A_35 = tpu.memref_slice %arg4[%add3A_33, %dma_start3A_34] : memref<819200x64xf32, #tpu.memory_space<hbm>> -> memref<512x64xf32, #tpu.memory_space<hbm>>
    %dma_start3A_36 = arith.constant 0 : i32
    %dma_start3A_37 = tpu.memref_slice %arg4[%add3A_33, %dma_start3A_36] : memref<819200x64xf32, #tpu.memory_space<hbm>> -> memref<512x64xf32, #tpu.memory_space<hbm>>
    tpu.enqueue_dma source(%arg7 : memref<512x64xf32, #tpu.memory_space<vmem>>) target(%dma_start3A_37 : memref<512x64xf32, #tpu.memory_space<hbm>>) target_semaphore(%arg10 : memref<!tpu.dma_semaphore, #tpu.memory_space<semaphore_mem>>)
    %add3A_38 = arith.constant 2560 : i32
    %add3A_39 = arith.addi %mul3A_2, %add3A_38 : i32
    %dma_start3A_40 = arith.constant 0 : i32
    %dma_start3A_41 = tpu.memref_slice %arg4[%add3A_39, %dma_start3A_40] : memref<819200x64xf32, #tpu.memory_space<hbm>> -> memref<512x64xf32, #tpu.memory_space<hbm>>
    %dma_start3A_42 = arith.constant 0 : i32
    %dma_start3A_43 = tpu.memref_slice %arg4[%add3A_39, %dma_start3A_42] : memref<819200x64xf32, #tpu.memory_space<hbm>> -> memref<512x64xf32, #tpu.memory_space<hbm>>
    tpu.enqueue_dma source(%arg7 : memref<512x64xf32, #tpu.memory_space<vmem>>) target(%dma_start3A_43 : memref<512x64xf32, #tpu.memory_space<hbm>>) target_semaphore(%arg10 : memref<!tpu.dma_semaphore, #tpu.memory_space<semaphore_mem>>)
    %add3A_44 = arith.constant 3072 : i32
    %add3A_45 = arith.addi %mul3A_2, %add3A_44 : i32
    %dma_start3A_46 = arith.constant 0 : i32
    %dma_start3A_47 = tpu.memref_slice %arg4[%add3A_45, %dma_start3A_46] : memref<819200x64xf32, #tpu.memory_space<hbm>> -> memref<512x64xf32, #tpu.memory_space<hbm>>
    %dma_start3A_48 = arith.constant 0 : i32
    %dma_start3A_49 = tpu.memref_slice %arg4[%add3A_45, %dma_start3A_48] : memref<819200x64xf32, #tpu.memory_space<hbm>> -> memref<512x64xf32, #tpu.memory_space<hbm>>
    tpu.enqueue_dma source(%arg7 : memref<512x64xf32, #tpu.memory_space<vmem>>) target(%dma_start3A_49 : memref<512x64xf32, #tpu.memory_space<hbm>>) target_semaphore(%arg10 : memref<!tpu.dma_semaphore, #tpu.memory_space<semaphore_mem>>)
    %add3A_50 = arith.constant 3584 : i32
    %add3A_51 = arith.addi %mul3A_2, %add3A_50 : i32
    %dma_start3A_52 = arith.constant 0 : i32
    %dma_start3A_53 = tpu.memref_slice %arg4[%add3A_51, %dma_start3A_52] : memref<819200x64xf32, #tpu.memory_space<hbm>> -> memref<512x64xf32, #tpu.memory_space<hbm>>
    %dma_start3A_54 = arith.constant 0 : i32
    %dma_start3A_55 = tpu.memref_slice %arg4[%add3A_51, %dma_start3A_54] : memref<819200x64xf32, #tpu.memory_space<hbm>> -> memref<512x64xf32, #tpu.memory_space<hbm>>
    tpu.enqueue_dma source(%arg7 : memref<512x64xf32, #tpu.memory_space<vmem>>) target(%dma_start3A_55 : memref<512x64xf32, #tpu.memory_space<hbm>>) target_semaphore(%arg10 : memref<!tpu.dma_semaphore, #tpu.memory_space<semaphore_mem>>)
    %add3A_56 = arith.constant 4096 : i32
    %add3A_57 = arith.addi %mul3A_2, %add3A_56 : i32
    %dma_start3A_58 = arith.constant 0 : i32
    %dma_start3A_59 = tpu.memref_slice %arg4[%add3A_57, %dma_start3A_58] : memref<819200x64xf32, #tpu.memory_space<hbm>> -> memref<512x64xf32, #tpu.memory_space<hbm>>
    %dma_start3A_60 = arith.constant 0 : i32
    %dma_start3A_61 = tpu.memref_slice %arg4[%add3A_57, %dma_start3A_60] : memref<819200x64xf32, #tpu.memory_space<hbm>> -> memref<512x64xf32, #tpu.memory_space<hbm>>
    tpu.enqueue_dma source(%arg7 : memref<512x64xf32, #tpu.memory_space<vmem>>) target(%dma_start3A_61 : memref<512x64xf32, #tpu.memory_space<hbm>>) target_semaphore(%arg10 : memref<!tpu.dma_semaphore, #tpu.memory_space<semaphore_mem>>)
    %add3A_62 = arith.constant 4608 : i32
    %add3A_63 = arith.addi %mul3A_2, %add3A_62 : i32
    %dma_start3A_64 = arith.constant 0 : i32
    %dma_start3A_65 = tpu.memref_slice %arg4[%add3A_63, %dma_start3A_64] : memref<819200x64xf32, #tpu.memory_space<hbm>> -> memref<512x64xf32, #tpu.memory_space<hbm>>
    %dma_start3A_66 = arith.constant 0 : i32
    %dma_start3A_67 = tpu.memref_slice %arg4[%add3A_63, %dma_start3A_66] : memref<819200x64xf32, #tpu.memory_space<hbm>> -> memref<512x64xf32, #tpu.memory_space<hbm>>
    tpu.enqueue_dma source(%arg7 : memref<512x64xf32, #tpu.memory_space<vmem>>) target(%dma_start3A_67 : memref<512x64xf32, #tpu.memory_space<hbm>>) target_semaphore(%arg10 : memref<!tpu.dma_semaphore, #tpu.memory_space<semaphore_mem>>)
    %add3A_68 = arith.constant 5120 : i32
    %add3A_69 = arith.addi %mul3A_2, %add3A_68 : i32
    %dma_start3A_70 = arith.constant 0 : i32
    %dma_start3A_71 = tpu.memref_slice %arg4[%add3A_69, %dma_start3A_70] : memref<819200x64xf32, #tpu.memory_space<hbm>> -> memref<512x64xf32, #tpu.memory_space<hbm>>
    %dma_start3A_72 = arith.constant 0 : i32
    %dma_start3A_73 = tpu.memref_slice %arg4[%add3A_69, %dma_start3A_72] : memref<819200x64xf32, #tpu.memory_space<hbm>> -> memref<512x64xf32, #tpu.memory_space<hbm>>
    tpu.enqueue_dma source(%arg7 : memref<512x64xf32, #tpu.memory_space<vmem>>) target(%dma_start3A_73 : memref<512x64xf32, #tpu.memory_space<hbm>>) target_semaphore(%arg10 : memref<!tpu.dma_semaphore, #tpu.memory_space<semaphore_mem>>)
    %add3A_74 = arith.constant 5632 : i32
    %add3A_75 = arith.addi %mul3A_2, %add3A_74 : i32
    %dma_start3A_76 = arith.constant 0 : i32
    %dma_start3A_77 = tpu.memref_slice %arg4[%add3A_75, %dma_start3A_76] : memref<819200x64xf32, #tpu.memory_space<hbm>> -> memref<512x64xf32, #tpu.memory_space<hbm>>
    %dma_start3A_78 = arith.constant 0 : i32
    %dma_start3A_79 = tpu.memref_slice %arg4[%add3A_75, %dma_start3A_78] : memref<819200x64xf32, #tpu.memory_space<hbm>> -> memref<512x64xf32, #tpu.memory_space<hbm>>
    tpu.enqueue_dma source(%arg7 : memref<512x64xf32, #tpu.memory_space<vmem>>) target(%dma_start3A_79 : memref<512x64xf32, #tpu.memory_space<hbm>>) target_semaphore(%arg10 : memref<!tpu.dma_semaphore, #tpu.memory_space<semaphore_mem>>)
    %add3A_80 = arith.constant 6144 : i32
    %add3A_81 = arith.addi %mul3A_2, %add3A_80 : i32
    %dma_start3A_82 = arith.constant 0 : i32
    %dma_start3A_83 = tpu.memref_slice %arg4[%add3A_81, %dma_start3A_82] : memref<819200x64xf32, #tpu.memory_space<hbm>> -> memref<512x64xf32, #tpu.memory_space<hbm>>
    %dma_start3A_84 = arith.constant 0 : i32
    %dma_start3A_85 = tpu.memref_slice %arg4[%add3A_81, %dma_start3A_84] : memref<819200x64xf32, #tpu.memory_space<hbm>> -> memref<512x64xf32, #tpu.memory_space<hbm>>
    tpu.enqueue_dma source(%arg7 : memref<512x64xf32, #tpu.memory_space<vmem>>) target(%dma_start3A_85 : memref<512x64xf32, #tpu.memory_space<hbm>>) target_semaphore(%arg10 : memref<!tpu.dma_semaphore, #tpu.memory_space<semaphore_mem>>)
    %add3A_86 = arith.constant 6656 : i32
    %add3A_87 = arith.addi %mul3A_2, %add3A_86 : i32
    %dma_start3A_88 = arith.constant 0 : i32
    %dma_start3A_89 = tpu.memref_slice %arg4[%add3A_87, %dma_start3A_88] : memref<819200x64xf32, #tpu.memory_space<hbm>> -> memref<512x64xf32, #tpu.memory_space<hbm>>
    %dma_start3A_90 = arith.constant 0 : i32
    %dma_start3A_91 = tpu.memref_slice %arg4[%add3A_87, %dma_start3A_90] : memref<819200x64xf32, #tpu.memory_space<hbm>> -> memref<512x64xf32, #tpu.memory_space<hbm>>
    tpu.enqueue_dma source(%arg7 : memref<512x64xf32, #tpu.memory_space<vmem>>) target(%dma_start3A_91 : memref<512x64xf32, #tpu.memory_space<hbm>>) target_semaphore(%arg10 : memref<!tpu.dma_semaphore, #tpu.memory_space<semaphore_mem>>)
    %add3A_92 = arith.constant 7168 : i32
    %add3A_93 = arith.addi %mul3A_2, %add3A_92 : i32
    %dma_start3A_94 = arith.constant 0 : i32
    %dma_start3A_95 = tpu.memref_slice %arg4[%add3A_93, %dma_start3A_94] : memref<819200x64xf32, #tpu.memory_space<hbm>> -> memref<512x64xf32, #tpu.memory_space<hbm>>
    %dma_start3A_96 = arith.constant 0 : i32
    %dma_start3A_97 = tpu.memref_slice %arg4[%add3A_93, %dma_start3A_96] : memref<819200x64xf32, #tpu.memory_space<hbm>> -> memref<512x64xf32, #tpu.memory_space<hbm>>
    tpu.enqueue_dma source(%arg7 : memref<512x64xf32, #tpu.memory_space<vmem>>) target(%dma_start3A_97 : memref<512x64xf32, #tpu.memory_space<hbm>>) target_semaphore(%arg10 : memref<!tpu.dma_semaphore, #tpu.memory_space<semaphore_mem>>)
    %add3A_98 = arith.constant 7680 : i32
    %add3A_99 = arith.addi %mul3A_2, %add3A_98 : i32
    %dma_start3A_100 = arith.constant 0 : i32
    %dma_start3A_101 = tpu.memref_slice %arg4[%add3A_99, %dma_start3A_100] : memref<819200x64xf32, #tpu.memory_space<hbm>> -> memref<512x64xf32, #tpu.memory_space<hbm>>
    %dma_start3A_102 = arith.constant 0 : i32
    %dma_start3A_103 = tpu.memref_slice %arg4[%add3A_99, %dma_start3A_102] : memref<819200x64xf32, #tpu.memory_space<hbm>> -> memref<512x64xf32, #tpu.memory_space<hbm>>
    tpu.enqueue_dma source(%arg7 : memref<512x64xf32, #tpu.memory_space<vmem>>) target(%dma_start3A_103 : memref<512x64xf32, #tpu.memory_space<hbm>>) target_semaphore(%arg10 : memref<!tpu.dma_semaphore, #tpu.memory_space<semaphore_mem>>)
    %add3A_104 = arith.constant 8192 : i32
    %add3A_105 = arith.addi %mul3A_2, %add3A_104 : i32
    %dma_start3A_106 = arith.constant 0 : i32
    %dma_start3A_107 = tpu.memref_slice %arg4[%add3A_105, %dma_start3A_106] : memref<819200x64xf32, #tpu.memory_space<hbm>> -> memref<512x64xf32, #tpu.memory_space<hbm>>
    %dma_start3A_108 = arith.constant 0 : i32
    %dma_start3A_109 = tpu.memref_slice %arg4[%add3A_105, %dma_start3A_108] : memref<819200x64xf32, #tpu.memory_space<hbm>> -> memref<512x64xf32, #tpu.memory_space<hbm>>
    tpu.enqueue_dma source(%arg7 : memref<512x64xf32, #tpu.memory_space<vmem>>) target(%dma_start3A_109 : memref<512x64xf32, #tpu.memory_space<hbm>>) target_semaphore(%arg10 : memref<!tpu.dma_semaphore, #tpu.memory_space<semaphore_mem>>)
    %add3A_110 = arith.constant 8704 : i32
    %add3A_111 = arith.addi %mul3A_2, %add3A_110 : i32
    %dma_start3A_112 = arith.constant 0 : i32
    %dma_start3A_113 = tpu.memref_slice %arg4[%add3A_111, %dma_start3A_112] : memref<819200x64xf32, #tpu.memory_space<hbm>> -> memref<512x64xf32, #tpu.memory_space<hbm>>
    %dma_start3A_114 = arith.constant 0 : i32
    %dma_start3A_115 = tpu.memref_slice %arg4[%add3A_111, %dma_start3A_114] : memref<819200x64xf32, #tpu.memory_space<hbm>> -> memref<512x64xf32, #tpu.memory_space<hbm>>
    tpu.enqueue_dma source(%arg7 : memref<512x64xf32, #tpu.memory_space<vmem>>) target(%dma_start3A_115 : memref<512x64xf32, #tpu.memory_space<hbm>>) target_semaphore(%arg10 : memref<!tpu.dma_semaphore, #tpu.memory_space<semaphore_mem>>)
    %add3A_116 = arith.constant 9216 : i32
    %add3A_117 = arith.addi %mul3A_2, %add3A_116 : i32
    %dma_start3A_118 = arith.constant 0 : i32
    %dma_start3A_119 = tpu.memref_slice %arg4[%add3A_117, %dma_start3A_118] : memref<819200x64xf32, #tpu.memory_space<hbm>> -> memref<512x64xf32, #tpu.memory_space<hbm>>
    %dma_start3A_120 = arith.constant 0 : i32
    %dma_start3A_121 = tpu.memref_slice %arg4[%add3A_117, %dma_start3A_120] : memref<819200x64xf32, #tpu.memory_space<hbm>> -> memref<512x64xf32, #tpu.memory_space<hbm>>
    tpu.enqueue_dma source(%arg7 : memref<512x64xf32, #tpu.memory_space<vmem>>) target(%dma_start3A_121 : memref<512x64xf32, #tpu.memory_space<hbm>>) target_semaphore(%arg10 : memref<!tpu.dma_semaphore, #tpu.memory_space<semaphore_mem>>)
    %add3A_122 = arith.constant 9728 : i32
    %add3A_123 = arith.addi %mul3A_2, %add3A_122 : i32
    %dma_start3A_124 = arith.constant 0 : i32
    %dma_start3A_125 = tpu.memref_slice %arg4[%add3A_123, %dma_start3A_124] : memref<819200x64xf32, #tpu.memory_space<hbm>> -> memref<512x64xf32, #tpu.memory_space<hbm>>
    %dma_start3A_126 = arith.constant 0 : i32
    %dma_start3A_127 = tpu.memref_slice %arg4[%add3A_123, %dma_start3A_126] : memref<819200x64xf32, #tpu.memory_space<hbm>> -> memref<512x64xf32, #tpu.memory_space<hbm>>
    tpu.enqueue_dma source(%arg7 : memref<512x64xf32, #tpu.memory_space<vmem>>) target(%dma_start3A_127 : memref<512x64xf32, #tpu.memory_space<hbm>>) target_semaphore(%arg10 : memref<!tpu.dma_semaphore, #tpu.memory_space<semaphore_mem>>)
    %add3A_128 = arith.constant 10240 : i32
    %add3A_129 = arith.addi %mul3A_2, %add3A_128 : i32
    %dma_start3A_130 = arith.constant 0 : i32
    %dma_start3A_131 = tpu.memref_slice %arg4[%add3A_129, %dma_start3A_130] : memref<819200x64xf32, #tpu.memory_space<hbm>> -> memref<512x64xf32, #tpu.memory_space<hbm>>
    %dma_start3A_132 = arith.constant 0 : i32
    %dma_start3A_133 = tpu.memref_slice %arg4[%add3A_129, %dma_start3A_132] : memref<819200x64xf32, #tpu.memory_space<hbm>> -> memref<512x64xf32, #tpu.memory_space<hbm>>
    tpu.enqueue_dma source(%arg7 : memref<512x64xf32, #tpu.memory_space<vmem>>) target(%dma_start3A_133 : memref<512x64xf32, #tpu.memory_space<hbm>>) target_semaphore(%arg10 : memref<!tpu.dma_semaphore, #tpu.memory_space<semaphore_mem>>)
    %add3A_134 = arith.constant 10752 : i32
    %add3A_135 = arith.addi %mul3A_2, %add3A_134 : i32
    %dma_start3A_136 = arith.constant 0 : i32
    %dma_start3A_137 = tpu.memref_slice %arg4[%add3A_135, %dma_start3A_136] : memref<819200x64xf32, #tpu.memory_space<hbm>> -> memref<512x64xf32, #tpu.memory_space<hbm>>
    %dma_start3A_138 = arith.constant 0 : i32
    %dma_start3A_139 = tpu.memref_slice %arg4[%add3A_135, %dma_start3A_138] : memref<819200x64xf32, #tpu.memory_space<hbm>> -> memref<512x64xf32, #tpu.memory_space<hbm>>
    tpu.enqueue_dma source(%arg7 : memref<512x64xf32, #tpu.memory_space<vmem>>) target(%dma_start3A_139 : memref<512x64xf32, #tpu.memory_space<hbm>>) target_semaphore(%arg10 : memref<!tpu.dma_semaphore, #tpu.memory_space<semaphore_mem>>)
    %add3A_140 = arith.constant 11264 : i32
    %add3A_141 = arith.addi %mul3A_2, %add3A_140 : i32
    %dma_start3A_142 = arith.constant 0 : i32
    %dma_start3A_143 = tpu.memref_slice %arg4[%add3A_141, %dma_start3A_142] : memref<819200x64xf32, #tpu.memory_space<hbm>> -> memref<512x64xf32, #tpu.memory_space<hbm>>
    %dma_start3A_144 = arith.constant 0 : i32
    %dma_start3A_145 = tpu.memref_slice %arg4[%add3A_141, %dma_start3A_144] : memref<819200x64xf32, #tpu.memory_space<hbm>> -> memref<512x64xf32, #tpu.memory_space<hbm>>
    tpu.enqueue_dma source(%arg7 : memref<512x64xf32, #tpu.memory_space<vmem>>) target(%dma_start3A_145 : memref<512x64xf32, #tpu.memory_space<hbm>>) target_semaphore(%arg10 : memref<!tpu.dma_semaphore, #tpu.memory_space<semaphore_mem>>)
    %add3A_146 = arith.constant 11776 : i32
    %add3A_147 = arith.addi %mul3A_2, %add3A_146 : i32
    %dma_start3A_148 = arith.constant 0 : i32
    %dma_start3A_149 = tpu.memref_slice %arg4[%add3A_147, %dma_start3A_148] : memref<819200x64xf32, #tpu.memory_space<hbm>> -> memref<512x64xf32, #tpu.memory_space<hbm>>
    %dma_start3A_150 = arith.constant 0 : i32
    %dma_start3A_151 = tpu.memref_slice %arg4[%add3A_147, %dma_start3A_150] : memref<819200x64xf32, #tpu.memory_space<hbm>> -> memref<512x64xf32, #tpu.memory_space<hbm>>
    tpu.enqueue_dma source(%arg7 : memref<512x64xf32, #tpu.memory_space<vmem>>) target(%dma_start3A_151 : memref<512x64xf32, #tpu.memory_space<hbm>>) target_semaphore(%arg10 : memref<!tpu.dma_semaphore, #tpu.memory_space<semaphore_mem>>)
    %add3A_152 = arith.constant 12288 : i32
    %add3A_153 = arith.addi %mul3A_2, %add3A_152 : i32
    %dma_start3A_154 = arith.constant 0 : i32
    %dma_start3A_155 = tpu.memref_slice %arg4[%add3A_153, %dma_start3A_154] : memref<819200x64xf32, #tpu.memory_space<hbm>> -> memref<512x64xf32, #tpu.memory_space<hbm>>
    %dma_start3A_156 = arith.constant 0 : i32
    %dma_start3A_157 = tpu.memref_slice %arg4[%add3A_153, %dma_start3A_156] : memref<819200x64xf32, #tpu.memory_space<hbm>> -> memref<512x64xf32, #tpu.memory_space<hbm>>
    tpu.enqueue_dma source(%arg7 : memref<512x64xf32, #tpu.memory_space<vmem>>) target(%dma_start3A_157 : memref<512x64xf32, #tpu.memory_space<hbm>>) target_semaphore(%arg10 : memref<!tpu.dma_semaphore, #tpu.memory_space<semaphore_mem>>)
    %add3A_158 = arith.constant 12800 : i32
    %add3A_159 = arith.addi %mul3A_2, %add3A_158 : i32
    %dma_start3A_160 = arith.constant 0 : i32
    %dma_start3A_161 = tpu.memref_slice %arg4[%add3A_159, %dma_start3A_160] : memref<819200x64xf32, #tpu.memory_space<hbm>> -> memref<512x64xf32, #tpu.memory_space<hbm>>
    %dma_start3A_162 = arith.constant 0 : i32
    %dma_start3A_163 = tpu.memref_slice %arg4[%add3A_159, %dma_start3A_162] : memref<819200x64xf32, #tpu.memory_space<hbm>> -> memref<512x64xf32, #tpu.memory_space<hbm>>
    tpu.enqueue_dma source(%arg7 : memref<512x64xf32, #tpu.memory_space<vmem>>) target(%dma_start3A_163 : memref<512x64xf32, #tpu.memory_space<hbm>>) target_semaphore(%arg10 : memref<!tpu.dma_semaphore, #tpu.memory_space<semaphore_mem>>)
    %add3A_164 = arith.constant 13312 : i32
    %add3A_165 = arith.addi %mul3A_2, %add3A_164 : i32
    %dma_start3A_166 = arith.constant 0 : i32
    %dma_start3A_167 = tpu.memref_slice %arg4[%add3A_165, %dma_start3A_166] : memref<819200x64xf32, #tpu.memory_space<hbm>> -> memref<512x64xf32, #tpu.memory_space<hbm>>
    %dma_start3A_168 = arith.constant 0 : i32
    %dma_start3A_169 = tpu.memref_slice %arg4[%add3A_165, %dma_start3A_168] : memref<819200x64xf32, #tpu.memory_space<hbm>> -> memref<512x64xf32, #tpu.memory_space<hbm>>
    tpu.enqueue_dma source(%arg7 : memref<512x64xf32, #tpu.memory_space<vmem>>) target(%dma_start3A_169 : memref<512x64xf32, #tpu.memory_space<hbm>>) target_semaphore(%arg10 : memref<!tpu.dma_semaphore, #tpu.memory_space<semaphore_mem>>)
    %add3A_170 = arith.constant 13824 : i32
    %add3A_171 = arith.addi %mul3A_2, %add3A_170 : i32
    %dma_start3A_172 = arith.constant 0 : i32
    %dma_start3A_173 = tpu.memref_slice %arg4[%add3A_171, %dma_start3A_172] : memref<819200x64xf32, #tpu.memory_space<hbm>> -> memref<512x64xf32, #tpu.memory_space<hbm>>
    %dma_start3A_174 = arith.constant 0 : i32
    %dma_start3A_175 = tpu.memref_slice %arg4[%add3A_171, %dma_start3A_174] : memref<819200x64xf32, #tpu.memory_space<hbm>> -> memref<512x64xf32, #tpu.memory_space<hbm>>
    tpu.enqueue_dma source(%arg7 : memref<512x64xf32, #tpu.memory_space<vmem>>) target(%dma_start3A_175 : memref<512x64xf32, #tpu.memory_space<hbm>>) target_semaphore(%arg10 : memref<!tpu.dma_semaphore, #tpu.memory_space<semaphore_mem>>)
    %add3A_176 = arith.constant 14336 : i32
    %add3A_177 = arith.addi %mul3A_2, %add3A_176 : i32
    %dma_start3A_178 = arith.constant 0 : i32
    %dma_start3A_179 = tpu.memref_slice %arg4[%add3A_177, %dma_start3A_178] : memref<819200x64xf32, #tpu.memory_space<hbm>> -> memref<512x64xf32, #tpu.memory_space<hbm>>
    %dma_start3A_180 = arith.constant 0 : i32
    %dma_start3A_181 = tpu.memref_slice %arg4[%add3A_177, %dma_start3A_180] : memref<819200x64xf32, #tpu.memory_space<hbm>> -> memref<512x64xf32, #tpu.memory_space<hbm>>
    tpu.enqueue_dma source(%arg7 : memref<512x64xf32, #tpu.memory_space<vmem>>) target(%dma_start3A_181 : memref<512x64xf32, #tpu.memory_space<hbm>>) target_semaphore(%arg10 : memref<!tpu.dma_semaphore, #tpu.memory_space<semaphore_mem>>)
    %add3A_182 = arith.constant 14848 : i32
    %add3A_183 = arith.addi %mul3A_2, %add3A_182 : i32
    %dma_start3A_184 = arith.constant 0 : i32
    %dma_start3A_185 = tpu.memref_slice %arg4[%add3A_183, %dma_start3A_184] : memref<819200x64xf32, #tpu.memory_space<hbm>> -> memref<512x64xf32, #tpu.memory_space<hbm>>
    %dma_start3A_186 = arith.constant 0 : i32
    %dma_start3A_187 = tpu.memref_slice %arg4[%add3A_183, %dma_start3A_186] : memref<819200x64xf32, #tpu.memory_space<hbm>> -> memref<512x64xf32, #tpu.memory_space<hbm>>
    tpu.enqueue_dma source(%arg7 : memref<512x64xf32, #tpu.memory_space<vmem>>) target(%dma_start3A_187 : memref<512x64xf32, #tpu.memory_space<hbm>>) target_semaphore(%arg10 : memref<!tpu.dma_semaphore, #tpu.memory_space<semaphore_mem>>)
    %add3A_188 = arith.constant 15360 : i32
    %add3A_189 = arith.addi %mul3A_2, %add3A_188 : i32
    %dma_start3A_190 = arith.constant 0 : i32
    %dma_start3A_191 = tpu.memref_slice %arg4[%add3A_189, %dma_start3A_190] : memref<819200x64xf32, #tpu.memory_space<hbm>> -> memref<512x64xf32, #tpu.memory_space<hbm>>
    %dma_start3A_192 = arith.constant 0 : i32
    %dma_start3A_193 = tpu.memref_slice %arg4[%add3A_189, %dma_start3A_192] : memref<819200x64xf32, #tpu.memory_space<hbm>> -> memref<512x64xf32, #tpu.memory_space<hbm>>
    tpu.enqueue_dma source(%arg7 : memref<512x64xf32, #tpu.memory_space<vmem>>) target(%dma_start3A_193 : memref<512x64xf32, #tpu.memory_space<hbm>>) target_semaphore(%arg10 : memref<!tpu.dma_semaphore, #tpu.memory_space<semaphore_mem>>)
    %add3A_194 = arith.constant 15872 : i32
    %add3A_195 = arith.addi %mul3A_2, %add3A_194 : i32
    %dma_start3A_196 = arith.constant 0 : i32
    %dma_start3A_197 = tpu.memref_slice %arg4[%add3A_195, %dma_start3A_196] : memref<819200x64xf32, #tpu.memory_space<hbm>> -> memref<512x64xf32, #tpu.memory_space<hbm>>
    %dma_start3A_198 = arith.constant 0 : i32
    %dma_start3A_199 = tpu.memref_slice %arg4[%add3A_195, %dma_start3A_198] : memref<819200x64xf32, #tpu.memory_space<hbm>> -> memref<512x64xf32, #tpu.memory_space<hbm>>
    tpu.enqueue_dma source(%arg7 : memref<512x64xf32, #tpu.memory_space<vmem>>) target(%dma_start3A_199 : memref<512x64xf32, #tpu.memory_space<hbm>>) target_semaphore(%arg10 : memref<!tpu.dma_semaphore, #tpu.memory_space<semaphore_mem>>)
    %add3A_200 = arith.constant 16384 : i32
    %add3A_201 = arith.addi %mul3A_2, %add3A_200 : i32
    %dma_start3A_202 = arith.constant 0 : i32
    %dma_start3A_203 = tpu.memref_slice %arg4[%add3A_201, %dma_start3A_202] : memref<819200x64xf32, #tpu.memory_space<hbm>> -> memref<512x64xf32, #tpu.memory_space<hbm>>
    %dma_start3A_204 = arith.constant 0 : i32
    %dma_start3A_205 = tpu.memref_slice %arg4[%add3A_201, %dma_start3A_204] : memref<819200x64xf32, #tpu.memory_space<hbm>> -> memref<512x64xf32, #tpu.memory_space<hbm>>
    tpu.enqueue_dma source(%arg7 : memref<512x64xf32, #tpu.memory_space<vmem>>) target(%dma_start3A_205 : memref<512x64xf32, #tpu.memory_space<hbm>>) target_semaphore(%arg10 : memref<!tpu.dma_semaphore, #tpu.memory_space<semaphore_mem>>)
    %add3A_206 = arith.constant 16896 : i32
    %add3A_207 = arith.addi %mul3A_2, %add3A_206 : i32
    %dma_start3A_208 = arith.constant 0 : i32
    %dma_start3A_209 = tpu.memref_slice %arg4[%add3A_207, %dma_start3A_208] : memref<819200x64xf32, #tpu.memory_space<hbm>> -> memref<512x64xf32, #tpu.memory_space<hbm>>
    %dma_start3A_210 = arith.constant 0 : i32
    %dma_start3A_211 = tpu.memref_slice %arg4[%add3A_207, %dma_start3A_210] : memref<819200x64xf32, #tpu.memory_space<hbm>> -> memref<512x64xf32, #tpu.memory_space<hbm>>
    tpu.enqueue_dma source(%arg7 : memref<512x64xf32, #tpu.memory_space<vmem>>) target(%dma_start3A_211 : memref<512x64xf32, #tpu.memory_space<hbm>>) target_semaphore(%arg10 : memref<!tpu.dma_semaphore, #tpu.memory_space<semaphore_mem>>)
    %add3A_212 = arith.constant 17408 : i32
    %add3A_213 = arith.addi %mul3A_2, %add3A_212 : i32
    %dma_start3A_214 = arith.constant 0 : i32
    %dma_start3A_215 = tpu.memref_slice %arg4[%add3A_213, %dma_start3A_214] : memref<819200x64xf32, #tpu.memory_space<hbm>> -> memref<512x64xf32, #tpu.memory_space<hbm>>
    %dma_start3A_216 = arith.constant 0 : i32
    %dma_start3A_217 = tpu.memref_slice %arg4[%add3A_213, %dma_start3A_216] : memref<819200x64xf32, #tpu.memory_space<hbm>> -> memref<512x64xf32, #tpu.memory_space<hbm>>
    tpu.enqueue_dma source(%arg7 : memref<512x64xf32, #tpu.memory_space<vmem>>) target(%dma_start3A_217 : memref<512x64xf32, #tpu.memory_space<hbm>>) target_semaphore(%arg10 : memref<!tpu.dma_semaphore, #tpu.memory_space<semaphore_mem>>)
    %add3A_218 = arith.constant 17920 : i32
    %add3A_219 = arith.addi %mul3A_2, %add3A_218 : i32
    %dma_start3A_220 = arith.constant 0 : i32
    %dma_start3A_221 = tpu.memref_slice %arg4[%add3A_219, %dma_start3A_220] : memref<819200x64xf32, #tpu.memory_space<hbm>> -> memref<512x64xf32, #tpu.memory_space<hbm>>
    %dma_start3A_222 = arith.constant 0 : i32
    %dma_start3A_223 = tpu.memref_slice %arg4[%add3A_219, %dma_start3A_222] : memref<819200x64xf32, #tpu.memory_space<hbm>> -> memref<512x64xf32, #tpu.memory_space<hbm>>
    tpu.enqueue_dma source(%arg7 : memref<512x64xf32, #tpu.memory_space<vmem>>) target(%dma_start3A_223 : memref<512x64xf32, #tpu.memory_space<hbm>>) target_semaphore(%arg10 : memref<!tpu.dma_semaphore, #tpu.memory_space<semaphore_mem>>)
    %add3A_224 = arith.constant 18432 : i32
    %add3A_225 = arith.addi %mul3A_2, %add3A_224 : i32
    %dma_start3A_226 = arith.constant 0 : i32
    %dma_start3A_227 = tpu.memref_slice %arg4[%add3A_225, %dma_start3A_226] : memref<819200x64xf32, #tpu.memory_space<hbm>> -> memref<512x64xf32, #tpu.memory_space<hbm>>
    %dma_start3A_228 = arith.constant 0 : i32
    %dma_start3A_229 = tpu.memref_slice %arg4[%add3A_225, %dma_start3A_228] : memref<819200x64xf32, #tpu.memory_space<hbm>> -> memref<512x64xf32, #tpu.memory_space<hbm>>
    tpu.enqueue_dma source(%arg7 : memref<512x64xf32, #tpu.memory_space<vmem>>) target(%dma_start3A_229 : memref<512x64xf32, #tpu.memory_space<hbm>>) target_semaphore(%arg10 : memref<!tpu.dma_semaphore, #tpu.memory_space<semaphore_mem>>)
    %add3A_230 = arith.constant 18944 : i32
    %add3A_231 = arith.addi %mul3A_2, %add3A_230 : i32
    %dma_start3A_232 = arith.constant 0 : i32
    %dma_start3A_233 = tpu.memref_slice %arg4[%add3A_231, %dma_start3A_232] : memref<819200x64xf32, #tpu.memory_space<hbm>> -> memref<512x64xf32, #tpu.memory_space<hbm>>
    %dma_start3A_234 = arith.constant 0 : i32
    %dma_start3A_235 = tpu.memref_slice %arg4[%add3A_231, %dma_start3A_234] : memref<819200x64xf32, #tpu.memory_space<hbm>> -> memref<512x64xf32, #tpu.memory_space<hbm>>
    tpu.enqueue_dma source(%arg7 : memref<512x64xf32, #tpu.memory_space<vmem>>) target(%dma_start3A_235 : memref<512x64xf32, #tpu.memory_space<hbm>>) target_semaphore(%arg10 : memref<!tpu.dma_semaphore, #tpu.memory_space<semaphore_mem>>)
    %add3A_236 = arith.constant 19456 : i32
    %add3A_237 = arith.addi %mul3A_2, %add3A_236 : i32
    %dma_start3A_238 = arith.constant 0 : i32
    %dma_start3A_239 = tpu.memref_slice %arg4[%add3A_237, %dma_start3A_238] : memref<819200x64xf32, #tpu.memory_space<hbm>> -> memref<512x64xf32, #tpu.memory_space<hbm>>
    %dma_start3A_240 = arith.constant 0 : i32
    %dma_start3A_241 = tpu.memref_slice %arg4[%add3A_237, %dma_start3A_240] : memref<819200x64xf32, #tpu.memory_space<hbm>> -> memref<512x64xf32, #tpu.memory_space<hbm>>
    tpu.enqueue_dma source(%arg7 : memref<512x64xf32, #tpu.memory_space<vmem>>) target(%dma_start3A_241 : memref<512x64xf32, #tpu.memory_space<hbm>>) target_semaphore(%arg10 : memref<!tpu.dma_semaphore, #tpu.memory_space<semaphore_mem>>)
    %add3A_242 = arith.constant 19968 : i32
    %add3A_243 = arith.addi %mul3A_2, %add3A_242 : i32
    %dma_start3A_244 = arith.constant 0 : i32
    %dma_start3A_245 = tpu.memref_slice %arg4[%add3A_243, %dma_start3A_244] : memref<819200x64xf32, #tpu.memory_space<hbm>> -> memref<512x64xf32, #tpu.memory_space<hbm>>
    %dma_start3A_246 = arith.constant 0 : i32
    %dma_start3A_247 = tpu.memref_slice %arg4[%add3A_243, %dma_start3A_246] : memref<819200x64xf32, #tpu.memory_space<hbm>> -> memref<512x64xf32, #tpu.memory_space<hbm>>
    tpu.enqueue_dma source(%arg7 : memref<512x64xf32, #tpu.memory_space<vmem>>) target(%dma_start3A_247 : memref<512x64xf32, #tpu.memory_space<hbm>>) target_semaphore(%arg10 : memref<!tpu.dma_semaphore, #tpu.memory_space<semaphore_mem>>)
    %add3A_248 = arith.constant 20480 : i32
    %add3A_249 = arith.addi %mul3A_2, %add3A_248 : i32
    %dma_start3A_250 = arith.constant 0 : i32
    %dma_start3A_251 = tpu.memref_slice %arg4[%add3A_249, %dma_start3A_250] : memref<819200x64xf32, #tpu.memory_space<hbm>> -> memref<512x64xf32, #tpu.memory_space<hbm>>
    %dma_start3A_252 = arith.constant 0 : i32
    %dma_start3A_253 = tpu.memref_slice %arg4[%add3A_249, %dma_start3A_252] : memref<819200x64xf32, #tpu.memory_space<hbm>> -> memref<512x64xf32, #tpu.memory_space<hbm>>
    tpu.enqueue_dma source(%arg7 : memref<512x64xf32, #tpu.memory_space<vmem>>) target(%dma_start3A_253 : memref<512x64xf32, #tpu.memory_space<hbm>>) target_semaphore(%arg10 : memref<!tpu.dma_semaphore, #tpu.memory_space<semaphore_mem>>)
    %add3A_254 = arith.constant 20992 : i32
    %add3A_255 = arith.addi %mul3A_2, %add3A_254 : i32
    %dma_start3A_256 = arith.constant 0 : i32
    %dma_start3A_257 = tpu.memref_slice %arg4[%add3A_255, %dma_start3A_256] : memref<819200x64xf32, #tpu.memory_space<hbm>> -> memref<512x64xf32, #tpu.memory_space<hbm>>
    %dma_start3A_258 = arith.constant 0 : i32
    %dma_start3A_259 = tpu.memref_slice %arg4[%add3A_255, %dma_start3A_258] : memref<819200x64xf32, #tpu.memory_space<hbm>> -> memref<512x64xf32, #tpu.memory_space<hbm>>
    tpu.enqueue_dma source(%arg7 : memref<512x64xf32, #tpu.memory_space<vmem>>) target(%dma_start3A_259 : memref<512x64xf32, #tpu.memory_space<hbm>>) target_semaphore(%arg10 : memref<!tpu.dma_semaphore, #tpu.memory_space<semaphore_mem>>)
    %add3A_260 = arith.constant 21504 : i32
    %add3A_261 = arith.addi %mul3A_2, %add3A_260 : i32
    %dma_start3A_262 = arith.constant 0 : i32
    %dma_start3A_263 = tpu.memref_slice %arg4[%add3A_261, %dma_start3A_262] : memref<819200x64xf32, #tpu.memory_space<hbm>> -> memref<512x64xf32, #tpu.memory_space<hbm>>
    %dma_start3A_264 = arith.constant 0 : i32
    %dma_start3A_265 = tpu.memref_slice %arg4[%add3A_261, %dma_start3A_264] : memref<819200x64xf32, #tpu.memory_space<hbm>> -> memref<512x64xf32, #tpu.memory_space<hbm>>
    tpu.enqueue_dma source(%arg7 : memref<512x64xf32, #tpu.memory_space<vmem>>) target(%dma_start3A_265 : memref<512x64xf32, #tpu.memory_space<hbm>>) target_semaphore(%arg10 : memref<!tpu.dma_semaphore, #tpu.memory_space<semaphore_mem>>)
    %add3A_266 = arith.constant 22016 : i32
    %add3A_267 = arith.addi %mul3A_2, %add3A_266 : i32
    %dma_start3A_268 = arith.constant 0 : i32
    %dma_start3A_269 = tpu.memref_slice %arg4[%add3A_267, %dma_start3A_268] : memref<819200x64xf32, #tpu.memory_space<hbm>> -> memref<512x64xf32, #tpu.memory_space<hbm>>
    %dma_start3A_270 = arith.constant 0 : i32
    %dma_start3A_271 = tpu.memref_slice %arg4[%add3A_267, %dma_start3A_270] : memref<819200x64xf32, #tpu.memory_space<hbm>> -> memref<512x64xf32, #tpu.memory_space<hbm>>
    tpu.enqueue_dma source(%arg7 : memref<512x64xf32, #tpu.memory_space<vmem>>) target(%dma_start3A_271 : memref<512x64xf32, #tpu.memory_space<hbm>>) target_semaphore(%arg10 : memref<!tpu.dma_semaphore, #tpu.memory_space<semaphore_mem>>)
    %add3A_272 = arith.constant 22528 : i32
    %add3A_273 = arith.addi %mul3A_2, %add3A_272 : i32
    %dma_start3A_274 = arith.constant 0 : i32
    %dma_start3A_275 = tpu.memref_slice %arg4[%add3A_273, %dma_start3A_274] : memref<819200x64xf32, #tpu.memory_space<hbm>> -> memref<512x64xf32, #tpu.memory_space<hbm>>
    %dma_start3A_276 = arith.constant 0 : i32
    %dma_start3A_277 = tpu.memref_slice %arg4[%add3A_273, %dma_start3A_276] : memref<819200x64xf32, #tpu.memory_space<hbm>> -> memref<512x64xf32, #tpu.memory_space<hbm>>
    tpu.enqueue_dma source(%arg7 : memref<512x64xf32, #tpu.memory_space<vmem>>) target(%dma_start3A_277 : memref<512x64xf32, #tpu.memory_space<hbm>>) target_semaphore(%arg10 : memref<!tpu.dma_semaphore, #tpu.memory_space<semaphore_mem>>)
    %add3A_278 = arith.constant 23040 : i32
    %add3A_279 = arith.addi %mul3A_2, %add3A_278 : i32
    %dma_start3A_280 = arith.constant 0 : i32
    %dma_start3A_281 = tpu.memref_slice %arg4[%add3A_279, %dma_start3A_280] : memref<819200x64xf32, #tpu.memory_space<hbm>> -> memref<512x64xf32, #tpu.memory_space<hbm>>
    %dma_start3A_282 = arith.constant 0 : i32
    %dma_start3A_283 = tpu.memref_slice %arg4[%add3A_279, %dma_start3A_282] : memref<819200x64xf32, #tpu.memory_space<hbm>> -> memref<512x64xf32, #tpu.memory_space<hbm>>
    tpu.enqueue_dma source(%arg7 : memref<512x64xf32, #tpu.memory_space<vmem>>) target(%dma_start3A_283 : memref<512x64xf32, #tpu.memory_space<hbm>>) target_semaphore(%arg10 : memref<!tpu.dma_semaphore, #tpu.memory_space<semaphore_mem>>)
    %add3A_284 = arith.constant 23552 : i32
    %add3A_285 = arith.addi %mul3A_2, %add3A_284 : i32
    %dma_start3A_286 = arith.constant 0 : i32
    %dma_start3A_287 = tpu.memref_slice %arg4[%add3A_285, %dma_start3A_286] : memref<819200x64xf32, #tpu.memory_space<hbm>> -> memref<512x64xf32, #tpu.memory_space<hbm>>
    %dma_start3A_288 = arith.constant 0 : i32
    %dma_start3A_289 = tpu.memref_slice %arg4[%add3A_285, %dma_start3A_288] : memref<819200x64xf32, #tpu.memory_space<hbm>> -> memref<512x64xf32, #tpu.memory_space<hbm>>
    tpu.enqueue_dma source(%arg7 : memref<512x64xf32, #tpu.memory_space<vmem>>) target(%dma_start3A_289 : memref<512x64xf32, #tpu.memory_space<hbm>>) target_semaphore(%arg10 : memref<!tpu.dma_semaphore, #tpu.memory_space<semaphore_mem>>)
    %add3A_290 = arith.constant 24064 : i32
    %add3A_291 = arith.addi %mul3A_2, %add3A_290 : i32
    %dma_start3A_292 = arith.constant 0 : i32
    %dma_start3A_293 = tpu.memref_slice %arg4[%add3A_291, %dma_start3A_292] : memref<819200x64xf32, #tpu.memory_space<hbm>> -> memref<512x64xf32, #tpu.memory_space<hbm>>
    %dma_start3A_294 = arith.constant 0 : i32
    %dma_start3A_295 = tpu.memref_slice %arg4[%add3A_291, %dma_start3A_294] : memref<819200x64xf32, #tpu.memory_space<hbm>> -> memref<512x64xf32, #tpu.memory_space<hbm>>
    tpu.enqueue_dma source(%arg7 : memref<512x64xf32, #tpu.memory_space<vmem>>) target(%dma_start3A_295 : memref<512x64xf32, #tpu.memory_space<hbm>>) target_semaphore(%arg10 : memref<!tpu.dma_semaphore, #tpu.memory_space<semaphore_mem>>)
    %add3A_296 = arith.constant 24576 : i32
    %add3A_297 = arith.addi %mul3A_2, %add3A_296 : i32
    %dma_start3A_298 = arith.constant 0 : i32
    %dma_start3A_299 = tpu.memref_slice %arg4[%add3A_297, %dma_start3A_298] : memref<819200x64xf32, #tpu.memory_space<hbm>> -> memref<512x64xf32, #tpu.memory_space<hbm>>
    %dma_start3A_300 = arith.constant 0 : i32
    %dma_start3A_301 = tpu.memref_slice %arg4[%add3A_297, %dma_start3A_300] : memref<819200x64xf32, #tpu.memory_space<hbm>> -> memref<512x64xf32, #tpu.memory_space<hbm>>
    tpu.enqueue_dma source(%arg7 : memref<512x64xf32, #tpu.memory_space<vmem>>) target(%dma_start3A_301 : memref<512x64xf32, #tpu.memory_space<hbm>>) target_semaphore(%arg10 : memref<!tpu.dma_semaphore, #tpu.memory_space<semaphore_mem>>)
    %add3A_302 = arith.constant 25088 : i32
    %add3A_303 = arith.addi %mul3A_2, %add3A_302 : i32
    %dma_start3A_304 = arith.constant 0 : i32
    %dma_start3A_305 = tpu.memref_slice %arg4[%add3A_303, %dma_start3A_304] : memref<819200x64xf32, #tpu.memory_space<hbm>> -> memref<512x64xf32, #tpu.memory_space<hbm>>
    %dma_start3A_306 = arith.constant 0 : i32
    %dma_start3A_307 = tpu.memref_slice %arg4[%add3A_303, %dma_start3A_306] : memref<819200x64xf32, #tpu.memory_space<hbm>> -> memref<512x64xf32, #tpu.memory_space<hbm>>
    tpu.enqueue_dma source(%arg7 : memref<512x64xf32, #tpu.memory_space<vmem>>) target(%dma_start3A_307 : memref<512x64xf32, #tpu.memory_space<hbm>>) target_semaphore(%arg10 : memref<!tpu.dma_semaphore, #tpu.memory_space<semaphore_mem>>)
    %iota3A = tpu.iota {dimensions = array<i32: 0>} : vector<16xi32>
    %scan3A_308 = arith.constant 0 : i32
    %scan3A_309 = arith.constant 0 : i32
    %scan3A_310 = arith.constant 1600 : i32
    %scan3A_311 = arith.addi %scan3A_309, %scan3A_310 : i32
    %scan3A_312 = arith.constant 1 : i32
    %scan3A_313 = scf.for %scan3A_595 = %scan3A_309 to %scan3A_311 step %scan3A_312 iter_args(%scan3A_596 = %scan3A_308) -> (i32)  : i32 {
      %mul3A_597 = arith.constant 16 : i32
      %mul3A_598 = arith.muli %scan3A_595, %mul3A_597 : i32
      %get3A_599 = arith.index_cast %mul3A_598 : i32 to index
      %get3A_600 = tpu.vector_load %arg5[%get3A_599] {strides = array<i32>} : memref<25600xi32, #tpu.memory_space<vmem>>, vector<16xi32>,
      %ge3A = arith.constant 250000 : i32
      %ge3A_601 = vector.broadcast %ge3A : i32 to vector<16xi32>
      %ge3A_602 = arith.cmpi sge, %get3A_600, %ge3A_601 : vector<16xi32>
      %lt3A = arith.constant 500000 : i32
      %lt3A_603 = vector.broadcast %lt3A : i32 to vector<16xi32>
      %lt3A_604 = arith.cmpi slt, %get3A_600, %lt3A_603 : vector<16xi32>
      %and3A_605 = arith.andi %ge3A_602, %lt3A_604 : vector<16xi1>
      %sub3A = arith.constant 250000 : i32
      %sub3A_606 = vector.broadcast %sub3A : i32 to vector<16xi32>
      %sub3A_607 = arith.subi %get3A_600, %sub3A_606 : vector<16xi32>
      %swap3A = arith.index_cast %scan3A_596 : i32 to index
      %swap3A_608 = tpu.vector_load %arg5[%swap3A] masked %and3A_605 {strides = array<i32>} : memref<25600xi32, #tpu.memory_space<vmem>>, vector<16xi32>, vector<16xi1>
      tpu.vector_store %arg5[%swap3A], %sub3A_607 masked %and3A_605 {strides = array<i32>} : memref<25600xi32, #tpu.memory_space<vmem>>, vector<16xi32>, vector<16xi1>
      %mul3A_609 = arith.constant 16 : i32
      %mul3A_610 = arith.muli %scan3A_595, %mul3A_609 : i32
      %add3A_611 = arith.addi %mul3A_2, %mul3A_610 : i32
      %add3A_612 = vector.broadcast %add3A_611 : i32 to vector<16xi32>
      %add3A_613 = arith.addi %add3A_612, %iota3A : vector<16xi32>
      %swap3A_614 = arith.index_cast %scan3A_596 : i32 to index
      %swap3A_615 = tpu.vector_load %arg6[%swap3A_614] masked %and3A_605 {strides = array<i32>} : memref<25600xi32, #tpu.memory_space<vmem>>, vector<16xi32>, vector<16xi1>
      tpu.vector_store %arg6[%swap3A_614], %add3A_613 masked %and3A_605 {strides = array<i32>} : memref<25600xi32, #tpu.memory_space<vmem>>, vector<16xi32>, vector<16xi1>
      %convert_element_type3A_616 = arith.extui %and3A_605 : vector<16xi1> to vector<16xi32>
      %reduce_sum3A = arith.constant true
      %reduce_sum3A_617 = vector.broadcast %reduce_sum3A : i1 to vector<16xi1>
      %reduce_sum3A_618 = tpu.scan <sum>, %convert_element_type3A_616 masked %reduce_sum3A_617 : vector<16xi32>, vector<16xi1> -> vector<16xi32>
      %reduce_sum3A_619 = vector.extract %reduce_sum3A_618[15] : i32 from vector<16xi32>
      %add3A_620 = arith.addi %scan3A_596, %reduce_sum3A_619 : i32
      scf.yield %add3A_620 : i32
    }
    %scan3A_314 = arith.constant 1600 : i32
    %eq3A = arith.constant 0 : i32
    %eq3A_315 = vector.broadcast %eq3A : i32 to vector<16xi32>
    %eq3A_316 = arith.cmpi eq, %iota3A, %eq3A_315 : vector<16xi32>
    %get3A = arith.constant 0 : index
    %get3A_317 = tpu.vector_load %arg5[%get3A] {strides = array<i32>} : memref<25600xi32, #tpu.memory_space<vmem>>, vector<16xi32>,
    %jit3A = arith.constant -2147483648 : i32
    %broadcast_in_dim3A_318 = vector.broadcast %jit3A : i32 to vector<16xi32>
    %select_n3A = arith.select %eq3A_316, %get3A_317, %broadcast_in_dim3A_318 : vector<16xi1>, vector<16xi32>
    %reduce_max3A = arith.constant true
    %reduce_max3A_319 = vector.broadcast %reduce_max3A : i1 to vector<16xi1>
    %reduce_max3A_320 = arith.constant -2147483648 : i32
    %reduce_max3A_321 = vector.broadcast %reduce_max3A_320 : i32 to vector<16xi32>
    %reduce_max3A_322 = arith.xori %select_n3A, %reduce_max3A_321 : vector<16xi32>
    %reduce_max3A_323 = tpu.scan <max>, %reduce_max3A_322 masked %reduce_max3A_319 : vector<16xi32>, vector<16xi1> -> vector<16xi32>
    %reduce_max3A_324 = arith.xori %reduce_max3A_323, %reduce_max3A_321 : vector<16xi32>
    %reduce_max3A_325 = vector.extract %reduce_max3A_324[15] : i32 from vector<16xi32>
    %eq3A_326 = arith.constant 0 : i32
    %eq3A_327 = vector.broadcast %eq3A_326 : i32 to vector<16xi32>
    %eq3A_328 = arith.cmpi eq, %iota3A, %eq3A_327 : vector<16xi32>
    %get3A_329 = arith.constant 0 : index
    %get3A_330 = tpu.vector_load %arg6[%get3A_329] {strides = array<i32>} : memref<25600xi32, #tpu.memory_space<vmem>>, vector<16xi32>,
    %jit3A_331 = arith.constant -2147483648 : i32
    %broadcast_in_dim3A_332 = vector.broadcast %jit3A_331 : i32 to vector<16xi32>
    %select_n3A_333 = arith.select %eq3A_328, %get3A_330, %broadcast_in_dim3A_332 : vector<16xi1>, vector<16xi32>
    %reduce_max3A_334 = arith.constant true
    %reduce_max3A_335 = vector.broadcast %reduce_max3A_334 : i1 to vector<16xi1>
    %reduce_max3A_336 = arith.constant -2147483648 : i32
    %reduce_max3A_337 = vector.broadcast %reduce_max3A_336 : i32 to vector<16xi32>
    %reduce_max3A_338 = arith.xori %select_n3A_333, %reduce_max3A_337 : vector<16xi32>
    %reduce_max3A_339 = tpu.scan <max>, %reduce_max3A_338 masked %reduce_max3A_335 : vector<16xi32>, vector<16xi1> -> vector<16xi32>
    %reduce_max3A_340 = arith.xori %reduce_max3A_339, %reduce_max3A_337 : vector<16xi32>
    %reduce_max3A_341 = vector.extract %reduce_max3A_340[15] : i32 from vector<16xi32>
    %broadcast_in_dim3A_342 = vector.broadcast %reduce_max3A_325 : i32 to vector<16xi32>
    %broadcast_in_dim3A_343 = vector.broadcast %reduce_max3A_341 : i32 to vector<16xi32>
    %and3A = arith.constant 15 : i32
    %and3A_344 = arith.andi %scan3A_313, %and3A : i32
    %ne3A = arith.constant 0 : i32
    %ne3A_345 = arith.cmpi ne, %and3A_344, %ne3A : i32
    %convert_element_type3A = arith.extui %ne3A_345 : i1 to i32
    %cond3A = arith.constant 0 : i32
    %cond3A_346 = arith.cmpi ne, %convert_element_type3A, %cond3A : i32
    scf.if %cond3A_346 {
      %shift_right_arithmetic3A_595 = arith.constant 4 : i32
      %shift_right_arithmetic3A_596 = arith.shrsi %scan3A_313, %shift_right_arithmetic3A_595 : i32
      %shift_left3A_597 = arith.constant 4 : i32
      %shift_left3A_598 = arith.shli %shift_right_arithmetic3A_596, %shift_left3A_597 : i32
      %add3A_599 = vector.broadcast %shift_left3A_598 : i32 to vector<16xi32>
      %add3A_600 = arith.addi %add3A_599, %iota3A : vector<16xi32>
      %lt3A = vector.broadcast %scan3A_313 : i32 to vector<16xi32>
      %lt3A_601 = arith.cmpi slt, %add3A_600, %lt3A : vector<16xi32>
      %get3A_602 = arith.index_cast %shift_left3A_598 : i32 to index
      %get3A_603 = tpu.vector_load %arg5[%get3A_602] {strides = array<i32>} : memref<25600xi32, #tpu.memory_space<vmem>>, vector<16xi32>,
      %select_n3A_604 = arith.select %lt3A_601, %get3A_603, %broadcast_in_dim3A_342 : vector<16xi1>, vector<16xi32>
      %swap3A = arith.index_cast %shift_left3A_598 : i32 to index
      %swap3A_605 = tpu.vector_load %arg5[%swap3A] {strides = array<i32>} : memref<25600xi32, #tpu.memory_space<vmem>>, vector<16xi32>,
      tpu.vector_store %arg5[%swap3A], %select_n3A_604 {strides = array<i32>} : memref<25600xi32, #tpu.memory_space<vmem>>, vector<16xi32>,
      %get3A_606 = arith.index_cast %shift_left3A_598 : i32 to index
      %get3A_607 = tpu.vector_load %arg6[%get3A_606] {strides = array<i32>} : memref<25600xi32, #tpu.memory_space<vmem>>, vector<16xi32>,
      %select_n3A_608 = arith.select %lt3A_601, %get3A_607, %broadcast_in_dim3A_343 : vector<16xi1>, vector<16xi32>
      %swap3A_609 = arith.index_cast %shift_left3A_598 : i32 to index
      %swap3A_610 = tpu.vector_load %arg6[%swap3A_609] {strides = array<i32>} : memref<25600xi32, #tpu.memory_space<vmem>>, vector<16xi32>,
      tpu.vector_store %arg6[%swap3A_609], %select_n3A_608 {strides = array<i32>} : memref<25600xi32, #tpu.memory_space<vmem>>, vector<16xi32>,
    } else {
    }
    %add3A_347 = arith.constant 255 : i32
    %add3A_348 = arith.addi %scan3A_313, %add3A_347 : i32
    %shift_right_arithmetic3A = arith.constant 8 : i32
    %shift_right_arithmetic3A_349 = arith.shrsi %add3A_348, %shift_right_arithmetic3A : i32
    %add3A_350 = arith.constant 15 : i32
    %add3A_351 = arith.addi %scan3A_313, %add3A_350 : i32
    %shift_right_arithmetic3A_352 = arith.constant 4 : i32
    %shift_right_arithmetic3A_353 = arith.shrsi %add3A_351, %shift_right_arithmetic3A_352 : i32
    %shift_left3A = arith.constant 4 : i32
    %shift_left3A_354 = arith.shli %shift_right_arithmetic3A_349, %shift_left3A : i32
    %while3A = arith.constant 0 : i32
    %while3A_355 = arith.subi %shift_left3A_354, %shift_right_arithmetic3A_353 : i32
    %while3A_356 = arith.addi %shift_right_arithmetic3A_353, %while3A_355 : i32
    %while3A_357 = arith.constant 1 : i32
    %while3A_358 = arith.divsi %while3A_355, %while3A_357 : i32
    %while3A_359 = arith.muli %while3A_358, %while3A_357 : i32
    %while3A_360 = arith.addi %shift_right_arithmetic3A_353, %while3A_359 : i32
    %while3A_361 = arith.constant 1 : i32
    scf.for %while3A_595 = %shift_right_arithmetic3A_353 to %while3A_360 step %while3A_361  : i32 {
      %mul3A_596 = arith.constant 16 : i32
      %mul3A_597 = arith.muli %while3A_595, %mul3A_596 : i32
      %swap3A = arith.index_cast %mul3A_597 : i32 to index
      %swap3A_598 = tpu.vector_load %arg5[%swap3A] {strides = array<i32>} : memref<25600xi32, #tpu.memory_space<vmem>>, vector<16xi32>,
      tpu.vector_store %arg5[%swap3A], %broadcast_in_dim3A_342 {strides = array<i32>} : memref<25600xi32, #tpu.memory_space<vmem>>, vector<16xi32>,
      %mul3A_599 = arith.constant 16 : i32
      %mul3A_600 = arith.muli %while3A_595, %mul3A_599 : i32
      %swap3A_601 = arith.index_cast %mul3A_600 : i32 to index
      %swap3A_602 = tpu.vector_load %arg6[%swap3A_601] {strides = array<i32>} : memref<25600xi32, #tpu.memory_space<vmem>>, vector<16xi32>,
      tpu.vector_store %arg6[%swap3A_601], %broadcast_in_dim3A_343 {strides = array<i32>} : memref<25600xi32, #tpu.memory_space<vmem>>, vector<16xi32>,
    }
    %while3A_362 = arith.constant 1 : i32
    scf.for %while3A_595 = %while3A_360 to %while3A_356 step %while3A_362  : i32 {
      %mul3A_596 = arith.constant 16 : i32
      %mul3A_597 = arith.muli %while3A_595, %mul3A_596 : i32
      %swap3A = arith.index_cast %mul3A_597 : i32 to index
      %swap3A_598 = tpu.vector_load %arg5[%swap3A] {strides = array<i32>} : memref<25600xi32, #tpu.memory_space<vmem>>, vector<16xi32>,
      tpu.vector_store %arg5[%swap3A], %broadcast_in_dim3A_342 {strides = array<i32>} : memref<25600xi32, #tpu.memory_space<vmem>>, vector<16xi32>,
      %mul3A_599 = arith.constant 16 : i32
      %mul3A_600 = arith.muli %while3A_595, %mul3A_599 : i32
      %swap3A_601 = arith.index_cast %mul3A_600 : i32 to index
      %swap3A_602 = tpu.vector_load %arg6[%swap3A_601] {strides = array<i32>} : memref<25600xi32, #tpu.memory_space<vmem>>, vector<16xi32>,
      tpu.vector_store %arg6[%swap3A_601], %broadcast_in_dim3A_343 {strides = array<i32>} : memref<25600xi32, #tpu.memory_space<vmem>>, vector<16xi32>,
    }
    %gt3A = arith.constant 0 : i32
    %gt3A_363 = arith.cmpi sgt, %shift_right_arithmetic3A_349, %gt3A : i32
    %convert_element_type3A_364 = arith.extui %gt3A_363 : i1 to i32
    %cond3A_365 = arith.constant 0 : i32
    %cond3A_366 = arith.cmpi ne, %convert_element_type3A_364, %cond3A_365 : i32
    scf.if %cond3A_366 {
      %dma_start3A_595 = arith.constant 0 : i32
      %dma_start3A_596 = tpu.memref_slice %arg5[%dma_start3A_595] : memref<25600xi32, #tpu.memory_space<vmem>> -> memref<256xi32, #tpu.memory_space<vmem>>
      %dma_start3A_597 = arith.constant 0 : i32
      %dma_start3A_598 = arith.constant 0 : i32
      %dma_start3A_599 = tpu.memref_slice %arg3[%dma_start3A_597, %dma_start3A_598] : memref<250000x64xf32, #tpu.memory_space<hbm>> -> memref<250000x64xf32, #tpu.memory_space<hbm>>
      tpu.enqueue_indirect_dma source(%dma_start3A_599 : memref<250000x64xf32, #tpu.memory_space<hbm>>) target(%arg8 : memref<256x64xf32, #tpu.memory_space<vmem>>) offsets(%dma_start3A_596 : memref<256xi32, #tpu.memory_space<vmem>>) semaphore(%arg11 : memref<!tpu.dma_semaphore, #tpu.memory_space<semaphore_mem>>)
    } else {
    }
    %gt3A_367 = arith.constant 1 : i32
    %gt3A_368 = arith.cmpi sgt, %shift_right_arithmetic3A_349, %gt3A_367 : i32
    %convert_element_type3A_369 = arith.extui %gt3A_368 : i1 to i32
    %cond3A_370 = arith.constant 0 : i32
    %cond3A_371 = arith.cmpi ne, %convert_element_type3A_369, %cond3A_370 : i32
    scf.if %cond3A_371 {
      %dma_start3A_595 = arith.constant 256 : i32
      %dma_start3A_596 = tpu.memref_slice %arg5[%dma_start3A_595] : memref<25600xi32, #tpu.memory_space<vmem>> -> memref<256xi32, #tpu.memory_space<vmem>>
      %dma_start3A_597 = arith.constant 0 : i32
      %dma_start3A_598 = arith.constant 0 : i32
      %dma_start3A_599 = tpu.memref_slice %arg3[%dma_start3A_597, %dma_start3A_598] : memref<250000x64xf32, #tpu.memory_space<hbm>> -> memref<250000x64xf32, #tpu.memory_space<hbm>>
      tpu.enqueue_indirect_dma source(%dma_start3A_599 : memref<250000x64xf32, #tpu.memory_space<hbm>>) target(%arg9 : memref<256x64xf32, #tpu.memory_space<vmem>>) offsets(%dma_start3A_596 : memref<256xi32, #tpu.memory_space<vmem>>) semaphore(%arg12 : memref<!tpu.dma_semaphore, #tpu.memory_space<semaphore_mem>>)
    } else {
    }
    %dma_wait3A = arith.constant 0 : i32
    %dma_wait3A_372 = tpu.memref_slice %arg4[%mul3A_2, %dma_wait3A] : memref<819200x64xf32, #tpu.memory_space<hbm>> -> memref<512x64xf32, #tpu.memory_space<hbm>>
    %dma_wait3A_373 = arith.constant 0 : i32
    %dma_wait3A_374 = tpu.memref_slice %arg4[%mul3A_2, %dma_wait3A_373] : memref<819200x64xf32, #tpu.memory_space<hbm>> -> memref<512x64xf32, #tpu.memory_space<hbm>>
    tpu.wait_dma2 semaphore(%arg10 : memref<!tpu.dma_semaphore, #tpu.memory_space<semaphore_mem>>) src(%arg7 : memref<512x64xf32, #tpu.memory_space<vmem>>) dst(%dma_wait3A_374 : memref<512x64xf32, #tpu.memory_space<hbm>>)
    %dma_wait3A_375 = arith.constant 0 : i32
    %dma_wait3A_376 = tpu.memref_slice %arg4[%mul3A_2, %dma_wait3A_375] : memref<819200x64xf32, #tpu.memory_space<hbm>> -> memref<512x64xf32, #tpu.memory_space<hbm>>
    %dma_wait3A_377 = arith.constant 0 : i32
    %dma_wait3A_378 = tpu.memref_slice %arg4[%mul3A_2, %dma_wait3A_377] : memref<819200x64xf32, #tpu.memory_space<hbm>> -> memref<512x64xf32, #tpu.memory_space<hbm>>
    tpu.wait_dma2 semaphore(%arg10 : memref<!tpu.dma_semaphore, #tpu.memory_space<semaphore_mem>>) src(%arg7 : memref<512x64xf32, #tpu.memory_space<vmem>>) dst(%dma_wait3A_378 : memref<512x64xf32, #tpu.memory_space<hbm>>)
    %dma_wait3A_379 = arith.constant 0 : i32
    %dma_wait3A_380 = tpu.memref_slice %arg4[%mul3A_2, %dma_wait3A_379] : memref<819200x64xf32, #tpu.memory_space<hbm>> -> memref<512x64xf32, #tpu.memory_space<hbm>>
    %dma_wait3A_381 = arith.constant 0 : i32
    %dma_wait3A_382 = tpu.memref_slice %arg4[%mul3A_2, %dma_wait3A_381] : memref<819200x64xf32, #tpu.memory_space<hbm>> -> memref<512x64xf32, #tpu.memory_space<hbm>>
    tpu.wait_dma2 semaphore(%arg10 : memref<!tpu.dma_semaphore, #tpu.memory_space<semaphore_mem>>) src(%arg7 : memref<512x64xf32, #tpu.memory_space<vmem>>) dst(%dma_wait3A_382 : memref<512x64xf32, #tpu.memory_space<hbm>>)
    %dma_wait3A_383 = arith.constant 0 : i32
    %dma_wait3A_384 = tpu.memref_slice %arg4[%mul3A_2, %dma_wait3A_383] : memref<819200x64xf32, #tpu.memory_space<hbm>> -> memref<512x64xf32, #tpu.memory_space<hbm>>
    %dma_wait3A_385 = arith.constant 0 : i32
    %dma_wait3A_386 = tpu.memref_slice %arg4[%mul3A_2, %dma_wait3A_385] : memref<819200x64xf32, #tpu.memory_space<hbm>> -> memref<512x64xf32, #tpu.memory_space<hbm>>
    tpu.wait_dma2 semaphore(%arg10 : memref<!tpu.dma_semaphore, #tpu.memory_space<semaphore_mem>>) src(%arg7 : memref<512x64xf32, #tpu.memory_space<vmem>>) dst(%dma_wait3A_386 : memref<512x64xf32, #tpu.memory_space<hbm>>)
    %dma_wait3A_387 = arith.constant 0 : i32
    %dma_wait3A_388 = tpu.memref_slice %arg4[%mul3A_2, %dma_wait3A_387] : memref<819200x64xf32, #tpu.memory_space<hbm>> -> memref<512x64xf32, #tpu.memory_space<hbm>>
    %dma_wait3A_389 = arith.constant 0 : i32
    %dma_wait3A_390 = tpu.memref_slice %arg4[%mul3A_2, %dma_wait3A_389] : memref<819200x64xf32, #tpu.memory_space<hbm>> -> memref<512x64xf32, #tpu.memory_space<hbm>>
    tpu.wait_dma2 semaphore(%arg10 : memref<!tpu.dma_semaphore, #tpu.memory_space<semaphore_mem>>) src(%arg7 : memref<512x64xf32, #tpu.memory_space<vmem>>) dst(%dma_wait3A_390 : memref<512x64xf32, #tpu.memory_space<hbm>>)
    %dma_wait3A_391 = arith.constant 0 : i32
    %dma_wait3A_392 = tpu.memref_slice %arg4[%mul3A_2, %dma_wait3A_391] : memref<819200x64xf32, #tpu.memory_space<hbm>> -> memref<512x64xf32, #tpu.memory_space<hbm>>
    %dma_wait3A_393 = arith.constant 0 : i32
    %dma_wait3A_394 = tpu.memref_slice %arg4[%mul3A_2, %dma_wait3A_393] : memref<819200x64xf32, #tpu.memory_space<hbm>> -> memref<512x64xf32, #tpu.memory_space<hbm>>
    tpu.wait_dma2 semaphore(%arg10 : memref<!tpu.dma_semaphore, #tpu.memory_space<semaphore_mem>>) src(%arg7 : memref<512x64xf32, #tpu.memory_space<vmem>>) dst(%dma_wait3A_394 : memref<512x64xf32, #tpu.memory_space<hbm>>)
    %dma_wait3A_395 = arith.constant 0 : i32
    %dma_wait3A_396 = tpu.memref_slice %arg4[%mul3A_2, %dma_wait3A_395] : memref<819200x64xf32, #tpu.memory_space<hbm>> -> memref<512x64xf32, #tpu.memory_space<hbm>>
    %dma_wait3A_397 = arith.constant 0 : i32
    %dma_wait3A_398 = tpu.memref_slice %arg4[%mul3A_2, %dma_wait3A_397] : memref<819200x64xf32, #tpu.memory_space<hbm>> -> memref<512x64xf32, #tpu.memory_space<hbm>>
    tpu.wait_dma2 semaphore(%arg10 : memref<!tpu.dma_semaphore, #tpu.memory_space<semaphore_mem>>) src(%arg7 : memref<512x64xf32, #tpu.memory_space<vmem>>) dst(%dma_wait3A_398 : memref<512x64xf32, #tpu.memory_space<hbm>>)
    %dma_wait3A_399 = arith.constant 0 : i32
    %dma_wait3A_400 = tpu.memref_slice %arg4[%mul3A_2, %dma_wait3A_399] : memref<819200x64xf32, #tpu.memory_space<hbm>> -> memref<512x64xf32, #tpu.memory_space<hbm>>
    %dma_wait3A_401 = arith.constant 0 : i32
    %dma_wait3A_402 = tpu.memref_slice %arg4[%mul3A_2, %dma_wait3A_401] : memref<819200x64xf32, #tpu.memory_space<hbm>> -> memref<512x64xf32, #tpu.memory_space<hbm>>
    tpu.wait_dma2 semaphore(%arg10 : memref<!tpu.dma_semaphore, #tpu.memory_space<semaphore_mem>>) src(%arg7 : memref<512x64xf32, #tpu.memory_space<vmem>>) dst(%dma_wait3A_402 : memref<512x64xf32, #tpu.memory_space<hbm>>)
    %dma_wait3A_403 = arith.constant 0 : i32
    %dma_wait3A_404 = tpu.memref_slice %arg4[%mul3A_2, %dma_wait3A_403] : memref<819200x64xf32, #tpu.memory_space<hbm>> -> memref<512x64xf32, #tpu.memory_space<hbm>>
    %dma_wait3A_405 = arith.constant 0 : i32
    %dma_wait3A_406 = tpu.memref_slice %arg4[%mul3A_2, %dma_wait3A_405] : memref<819200x64xf32, #tpu.memory_space<hbm>> -> memref<512x64xf32, #tpu.memory_space<hbm>>
    tpu.wait_dma2 semaphore(%arg10 : memref<!tpu.dma_semaphore, #tpu.memory_space<semaphore_mem>>) src(%arg7 : memref<512x64xf32, #tpu.memory_space<vmem>>) dst(%dma_wait3A_406 : memref<512x64xf32, #tpu.memory_space<hbm>>)
    %dma_wait3A_407 = arith.constant 0 : i32
    %dma_wait3A_408 = tpu.memref_slice %arg4[%mul3A_2, %dma_wait3A_407] : memref<819200x64xf32, #tpu.memory_space<hbm>> -> memref<512x64xf32, #tpu.memory_space<hbm>>
    %dma_wait3A_409 = arith.constant 0 : i32
    %dma_wait3A_410 = tpu.memref_slice %arg4[%mul3A_2, %dma_wait3A_409] : memref<819200x64xf32, #tpu.memory_space<hbm>> -> memref<512x64xf32, #tpu.memory_space<hbm>>
    tpu.wait_dma2 semaphore(%arg10 : memref<!tpu.dma_semaphore, #tpu.memory_space<semaphore_mem>>) src(%arg7 : memref<512x64xf32, #tpu.memory_space<vmem>>) dst(%dma_wait3A_410 : memref<512x64xf32, #tpu.memory_space<hbm>>)
    %dma_wait3A_411 = arith.constant 0 : i32
    %dma_wait3A_412 = tpu.memref_slice %arg4[%mul3A_2, %dma_wait3A_411] : memref<819200x64xf32, #tpu.memory_space<hbm>> -> memref<512x64xf32, #tpu.memory_space<hbm>>
    %dma_wait3A_413 = arith.constant 0 : i32
    %dma_wait3A_414 = tpu.memref_slice %arg4[%mul3A_2, %dma_wait3A_413] : memref<819200x64xf32, #tpu.memory_space<hbm>> -> memref<512x64xf32, #tpu.memory_space<hbm>>
    tpu.wait_dma2 semaphore(%arg10 : memref<!tpu.dma_semaphore, #tpu.memory_space<semaphore_mem>>) src(%arg7 : memref<512x64xf32, #tpu.memory_space<vmem>>) dst(%dma_wait3A_414 : memref<512x64xf32, #tpu.memory_space<hbm>>)
    %dma_wait3A_415 = arith.constant 0 : i32
    %dma_wait3A_416 = tpu.memref_slice %arg4[%mul3A_2, %dma_wait3A_415] : memref<819200x64xf32, #tpu.memory_space<hbm>> -> memref<512x64xf32, #tpu.memory_space<hbm>>
    %dma_wait3A_417 = arith.constant 0 : i32
    %dma_wait3A_418 = tpu.memref_slice %arg4[%mul3A_2, %dma_wait3A_417] : memref<819200x64xf32, #tpu.memory_space<hbm>> -> memref<512x64xf32, #tpu.memory_space<hbm>>
    tpu.wait_dma2 semaphore(%arg10 : memref<!tpu.dma_semaphore, #tpu.memory_space<semaphore_mem>>) src(%arg7 : memref<512x64xf32, #tpu.memory_space<vmem>>) dst(%dma_wait3A_418 : memref<512x64xf32, #tpu.memory_space<hbm>>)
    %dma_wait3A_419 = arith.constant 0 : i32
    %dma_wait3A_420 = tpu.memref_slice %arg4[%mul3A_2, %dma_wait3A_419] : memref<819200x64xf32, #tpu.memory_space<hbm>> -> memref<512x64xf32, #tpu.memory_space<hbm>>
    %dma_wait3A_421 = arith.constant 0 : i32
    %dma_wait3A_422 = tpu.memref_slice %arg4[%mul3A_2, %dma_wait3A_421] : memref<819200x64xf32, #tpu.memory_space<hbm>> -> memref<512x64xf32, #tpu.memory_space<hbm>>
    tpu.wait_dma2 semaphore(%arg10 : memref<!tpu.dma_semaphore, #tpu.memory_space<semaphore_mem>>) src(%arg7 : memref<512x64xf32, #tpu.memory_space<vmem>>) dst(%dma_wait3A_422 : memref<512x64xf32, #tpu.memory_space<hbm>>)
    %dma_wait3A_423 = arith.constant 0 : i32
    %dma_wait3A_424 = tpu.memref_slice %arg4[%mul3A_2, %dma_wait3A_423] : memref<819200x64xf32, #tpu.memory_space<hbm>> -> memref<512x64xf32, #tpu.memory_space<hbm>>
    %dma_wait3A_425 = arith.constant 0 : i32
    %dma_wait3A_426 = tpu.memref_slice %arg4[%mul3A_2, %dma_wait3A_425] : memref<819200x64xf32, #tpu.memory_space<hbm>> -> memref<512x64xf32, #tpu.memory_space<hbm>>
    tpu.wait_dma2 semaphore(%arg10 : memref<!tpu.dma_semaphore, #tpu.memory_space<semaphore_mem>>) src(%arg7 : memref<512x64xf32, #tpu.memory_space<vmem>>) dst(%dma_wait3A_426 : memref<512x64xf32, #tpu.memory_space<hbm>>)
    %dma_wait3A_427 = arith.constant 0 : i32
    %dma_wait3A_428 = tpu.memref_slice %arg4[%mul3A_2, %dma_wait3A_427] : memref<819200x64xf32, #tpu.memory_space<hbm>> -> memref<512x64xf32, #tpu.memory_space<hbm>>
    %dma_wait3A_429 = arith.constant 0 : i32
    %dma_wait3A_430 = tpu.memref_slice %arg4[%mul3A_2, %dma_wait3A_429] : memref<819200x64xf32, #tpu.memory_space<hbm>> -> memref<512x64xf32, #tpu.memory_space<hbm>>
    tpu.wait_dma2 semaphore(%arg10 : memref<!tpu.dma_semaphore, #tpu.memory_space<semaphore_mem>>) src(%arg7 : memref<512x64xf32, #tpu.memory_space<vmem>>) dst(%dma_wait3A_430 : memref<512x64xf32, #tpu.memory_space<hbm>>)
    %dma_wait3A_431 = arith.constant 0 : i32
    %dma_wait3A_432 = tpu.memref_slice %arg4[%mul3A_2, %dma_wait3A_431] : memref<819200x64xf32, #tpu.memory_space<hbm>> -> memref<512x64xf32, #tpu.memory_space<hbm>>
    %dma_wait3A_433 = arith.constant 0 : i32
    %dma_wait3A_434 = tpu.memref_slice %arg4[%mul3A_2, %dma_wait3A_433] : memref<819200x64xf32, #tpu.memory_space<hbm>> -> memref<512x64xf32, #tpu.memory_space<hbm>>
    tpu.wait_dma2 semaphore(%arg10 : memref<!tpu.dma_semaphore, #tpu.memory_space<semaphore_mem>>) src(%arg7 : memref<512x64xf32, #tpu.memory_space<vmem>>) dst(%dma_wait3A_434 : memref<512x64xf32, #tpu.memory_space<hbm>>)
    %dma_wait3A_435 = arith.constant 0 : i32
    %dma_wait3A_436 = tpu.memref_slice %arg4[%mul3A_2, %dma_wait3A_435] : memref<819200x64xf32, #tpu.memory_space<hbm>> -> memref<512x64xf32, #tpu.memory_space<hbm>>
    %dma_wait3A_437 = arith.constant 0 : i32
    %dma_wait3A_438 = tpu.memref_slice %arg4[%mul3A_2, %dma_wait3A_437] : memref<819200x64xf32, #tpu.memory_space<hbm>> -> memref<512x64xf32, #tpu.memory_space<hbm>>
    tpu.wait_dma2 semaphore(%arg10 : memref<!tpu.dma_semaphore, #tpu.memory_space<semaphore_mem>>) src(%arg7 : memref<512x64xf32, #tpu.memory_space<vmem>>) dst(%dma_wait3A_438 : memref<512x64xf32, #tpu.memory_space<hbm>>)
    %dma_wait3A_439 = arith.constant 0 : i32
    %dma_wait3A_440 = tpu.memref_slice %arg4[%mul3A_2, %dma_wait3A_439] : memref<819200x64xf32, #tpu.memory_space<hbm>> -> memref<512x64xf32, #tpu.memory_space<hbm>>
    %dma_wait3A_441 = arith.constant 0 : i32
    %dma_wait3A_442 = tpu.memref_slice %arg4[%mul3A_2, %dma_wait3A_441] : memref<819200x64xf32, #tpu.memory_space<hbm>> -> memref<512x64xf32, #tpu.memory_space<hbm>>
    tpu.wait_dma2 semaphore(%arg10 : memref<!tpu.dma_semaphore, #tpu.memory_space<semaphore_mem>>) src(%arg7 : memref<512x64xf32, #tpu.memory_space<vmem>>) dst(%dma_wait3A_442 : memref<512x64xf32, #tpu.memory_space<hbm>>)
    %dma_wait3A_443 = arith.constant 0 : i32
    %dma_wait3A_444 = tpu.memref_slice %arg4[%mul3A_2, %dma_wait3A_443] : memref<819200x64xf32, #tpu.memory_space<hbm>> -> memref<512x64xf32, #tpu.memory_space<hbm>>
    %dma_wait3A_445 = arith.constant 0 : i32
    %dma_wait3A_446 = tpu.memref_slice %arg4[%mul3A_2, %dma_wait3A_445] : memref<819200x64xf32, #tpu.memory_space<hbm>> -> memref<512x64xf32, #tpu.memory_space<hbm>>
    tpu.wait_dma2 semaphore(%arg10 : memref<!tpu.dma_semaphore, #tpu.memory_space<semaphore_mem>>) src(%arg7 : memref<512x64xf32, #tpu.memory_space<vmem>>) dst(%dma_wait3A_446 : memref<512x64xf32, #tpu.memory_space<hbm>>)
    %dma_wait3A_447 = arith.constant 0 : i32
    %dma_wait3A_448 = tpu.memref_slice %arg4[%mul3A_2, %dma_wait3A_447] : memref<819200x64xf32, #tpu.memory_space<hbm>> -> memref<512x64xf32, #tpu.memory_space<hbm>>
    %dma_wait3A_449 = arith.constant 0 : i32
    %dma_wait3A_450 = tpu.memref_slice %arg4[%mul3A_2, %dma_wait3A_449] : memref<819200x64xf32, #tpu.memory_space<hbm>> -> memref<512x64xf32, #tpu.memory_space<hbm>>
    tpu.wait_dma2 semaphore(%arg10 : memref<!tpu.dma_semaphore, #tpu.memory_space<semaphore_mem>>) src(%arg7 : memref<512x64xf32, #tpu.memory_space<vmem>>) dst(%dma_wait3A_450 : memref<512x64xf32, #tpu.memory_space<hbm>>)
    %dma_wait3A_451 = arith.constant 0 : i32
    %dma_wait3A_452 = tpu.memref_slice %arg4[%mul3A_2, %dma_wait3A_451] : memref<819200x64xf32, #tpu.memory_space<hbm>> -> memref<512x64xf32, #tpu.memory_space<hbm>>
    %dma_wait3A_453 = arith.constant 0 : i32
    %dma_wait3A_454 = tpu.memref_slice %arg4[%mul3A_2, %dma_wait3A_453] : memref<819200x64xf32, #tpu.memory_space<hbm>> -> memref<512x64xf32, #tpu.memory_space<hbm>>
    tpu.wait_dma2 semaphore(%arg10 : memref<!tpu.dma_semaphore, #tpu.memory_space<semaphore_mem>>) src(%arg7 : memref<512x64xf32, #tpu.memory_space<vmem>>) dst(%dma_wait3A_454 : memref<512x64xf32, #tpu.memory_space<hbm>>)
    %dma_wait3A_455 = arith.constant 0 : i32
    %dma_wait3A_456 = tpu.memref_slice %arg4[%mul3A_2, %dma_wait3A_455] : memref<819200x64xf32, #tpu.memory_space<hbm>> -> memref<512x64xf32, #tpu.memory_space<hbm>>
    %dma_wait3A_457 = arith.constant 0 : i32
    %dma_wait3A_458 = tpu.memref_slice %arg4[%mul3A_2, %dma_wait3A_457] : memref<819200x64xf32, #tpu.memory_space<hbm>> -> memref<512x64xf32, #tpu.memory_space<hbm>>
    tpu.wait_dma2 semaphore(%arg10 : memref<!tpu.dma_semaphore, #tpu.memory_space<semaphore_mem>>) src(%arg7 : memref<512x64xf32, #tpu.memory_space<vmem>>) dst(%dma_wait3A_458 : memref<512x64xf32, #tpu.memory_space<hbm>>)
    %dma_wait3A_459 = arith.constant 0 : i32
    %dma_wait3A_460 = tpu.memref_slice %arg4[%mul3A_2, %dma_wait3A_459] : memref<819200x64xf32, #tpu.memory_space<hbm>> -> memref<512x64xf32, #tpu.memory_space<hbm>>
    %dma_wait3A_461 = arith.constant 0 : i32
    %dma_wait3A_462 = tpu.memref_slice %arg4[%mul3A_2, %dma_wait3A_461] : memref<819200x64xf32, #tpu.memory_space<hbm>> -> memref<512x64xf32, #tpu.memory_space<hbm>>
    tpu.wait_dma2 semaphore(%arg10 : memref<!tpu.dma_semaphore, #tpu.memory_space<semaphore_mem>>) src(%arg7 : memref<512x64xf32, #tpu.memory_space<vmem>>) dst(%dma_wait3A_462 : memref<512x64xf32, #tpu.memory_space<hbm>>)
    %dma_wait3A_463 = arith.constant 0 : i32
    %dma_wait3A_464 = tpu.memref_slice %arg4[%mul3A_2, %dma_wait3A_463] : memref<819200x64xf32, #tpu.memory_space<hbm>> -> memref<512x64xf32, #tpu.memory_space<hbm>>
    %dma_wait3A_465 = arith.constant 0 : i32
    %dma_wait3A_466 = tpu.memref_slice %arg4[%mul3A_2, %dma_wait3A_465] : memref<819200x64xf32, #tpu.memory_space<hbm>> -> memref<512x64xf32, #tpu.memory_space<hbm>>
    tpu.wait_dma2 semaphore(%arg10 : memref<!tpu.dma_semaphore, #tpu.memory_space<semaphore_mem>>) src(%arg7 : memref<512x64xf32, #tpu.memory_space<vmem>>) dst(%dma_wait3A_466 : memref<512x64xf32, #tpu.memory_space<hbm>>)
    %dma_wait3A_467 = arith.constant 0 : i32
    %dma_wait3A_468 = tpu.memref_slice %arg4[%mul3A_2, %dma_wait3A_467] : memref<819200x64xf32, #tpu.memory_space<hbm>> -> memref<512x64xf32, #tpu.memory_space<hbm>>
    %dma_wait3A_469 = arith.constant 0 : i32
    %dma_wait3A_470 = tpu.memref_slice %arg4[%mul3A_2, %dma_wait3A_469] : memref<819200x64xf32, #tpu.memory_space<hbm>> -> memref<512x64xf32, #tpu.memory_space<hbm>>
    tpu.wait_dma2 semaphore(%arg10 : memref<!tpu.dma_semaphore, #tpu.memory_space<semaphore_mem>>) src(%arg7 : memref<512x64xf32, #tpu.memory_space<vmem>>) dst(%dma_wait3A_470 : memref<512x64xf32, #tpu.memory_space<hbm>>)
    %dma_wait3A_471 = arith.constant 0 : i32
    %dma_wait3A_472 = tpu.memref_slice %arg4[%mul3A_2, %dma_wait3A_471] : memref<819200x64xf32, #tpu.memory_space<hbm>> -> memref<512x64xf32, #tpu.memory_space<hbm>>
    %dma_wait3A_473 = arith.constant 0 : i32
    %dma_wait3A_474 = tpu.memref_slice %arg4[%mul3A_2, %dma_wait3A_473] : memref<819200x64xf32, #tpu.memory_space<hbm>> -> memref<512x64xf32, #tpu.memory_space<hbm>>
    tpu.wait_dma2 semaphore(%arg10 : memref<!tpu.dma_semaphore, #tpu.memory_space<semaphore_mem>>) src(%arg7 : memref<512x64xf32, #tpu.memory_space<vmem>>) dst(%dma_wait3A_474 : memref<512x64xf32, #tpu.memory_space<hbm>>)
    %dma_wait3A_475 = arith.constant 0 : i32
    %dma_wait3A_476 = tpu.memref_slice %arg4[%mul3A_2, %dma_wait3A_475] : memref<819200x64xf32, #tpu.memory_space<hbm>> -> memref<512x64xf32, #tpu.memory_space<hbm>>
    %dma_wait3A_477 = arith.constant 0 : i32
    %dma_wait3A_478 = tpu.memref_slice %arg4[%mul3A_2, %dma_wait3A_477] : memref<819200x64xf32, #tpu.memory_space<hbm>> -> memref<512x64xf32, #tpu.memory_space<hbm>>
    tpu.wait_dma2 semaphore(%arg10 : memref<!tpu.dma_semaphore, #tpu.memory_space<semaphore_mem>>) src(%arg7 : memref<512x64xf32, #tpu.memory_space<vmem>>) dst(%dma_wait3A_478 : memref<512x64xf32, #tpu.memory_space<hbm>>)
    %dma_wait3A_479 = arith.constant 0 : i32
    %dma_wait3A_480 = tpu.memref_slice %arg4[%mul3A_2, %dma_wait3A_479] : memref<819200x64xf32, #tpu.memory_space<hbm>> -> memref<512x64xf32, #tpu.memory_space<hbm>>
    %dma_wait3A_481 = arith.constant 0 : i32
    %dma_wait3A_482 = tpu.memref_slice %arg4[%mul3A_2, %dma_wait3A_481] : memref<819200x64xf32, #tpu.memory_space<hbm>> -> memref<512x64xf32, #tpu.memory_space<hbm>>
    tpu.wait_dma2 semaphore(%arg10 : memref<!tpu.dma_semaphore, #tpu.memory_space<semaphore_mem>>) src(%arg7 : memref<512x64xf32, #tpu.memory_space<vmem>>) dst(%dma_wait3A_482 : memref<512x64xf32, #tpu.memory_space<hbm>>)
    %dma_wait3A_483 = arith.constant 0 : i32
    %dma_wait3A_484 = tpu.memref_slice %arg4[%mul3A_2, %dma_wait3A_483] : memref<819200x64xf32, #tpu.memory_space<hbm>> -> memref<512x64xf32, #tpu.memory_space<hbm>>
    %dma_wait3A_485 = arith.constant 0 : i32
    %dma_wait3A_486 = tpu.memref_slice %arg4[%mul3A_2, %dma_wait3A_485] : memref<819200x64xf32, #tpu.memory_space<hbm>> -> memref<512x64xf32, #tpu.memory_space<hbm>>
    tpu.wait_dma2 semaphore(%arg10 : memref<!tpu.dma_semaphore, #tpu.memory_space<semaphore_mem>>) src(%arg7 : memref<512x64xf32, #tpu.memory_space<vmem>>) dst(%dma_wait3A_486 : memref<512x64xf32, #tpu.memory_space<hbm>>)
    %dma_wait3A_487 = arith.constant 0 : i32
    %dma_wait3A_488 = tpu.memref_slice %arg4[%mul3A_2, %dma_wait3A_487] : memref<819200x64xf32, #tpu.memory_space<hbm>> -> memref<512x64xf32, #tpu.memory_space<hbm>>
    %dma_wait3A_489 = arith.constant 0 : i32
    %dma_wait3A_490 = tpu.memref_slice %arg4[%mul3A_2, %dma_wait3A_489] : memref<819200x64xf32, #tpu.memory_space<hbm>> -> memref<512x64xf32, #tpu.memory_space<hbm>>
    tpu.wait_dma2 semaphore(%arg10 : memref<!tpu.dma_semaphore, #tpu.memory_space<semaphore_mem>>) src(%arg7 : memref<512x64xf32, #tpu.memory_space<vmem>>) dst(%dma_wait3A_490 : memref<512x64xf32, #tpu.memory_space<hbm>>)
    %dma_wait3A_491 = arith.constant 0 : i32
    %dma_wait3A_492 = tpu.memref_slice %arg4[%mul3A_2, %dma_wait3A_491] : memref<819200x64xf32, #tpu.memory_space<hbm>> -> memref<512x64xf32, #tpu.memory_space<hbm>>
    %dma_wait3A_493 = arith.constant 0 : i32
    %dma_wait3A_494 = tpu.memref_slice %arg4[%mul3A_2, %dma_wait3A_493] : memref<819200x64xf32, #tpu.memory_space<hbm>> -> memref<512x64xf32, #tpu.memory_space<hbm>>
    tpu.wait_dma2 semaphore(%arg10 : memref<!tpu.dma_semaphore, #tpu.memory_space<semaphore_mem>>) src(%arg7 : memref<512x64xf32, #tpu.memory_space<vmem>>) dst(%dma_wait3A_494 : memref<512x64xf32, #tpu.memory_space<hbm>>)
    %dma_wait3A_495 = arith.constant 0 : i32
    %dma_wait3A_496 = tpu.memref_slice %arg4[%mul3A_2, %dma_wait3A_495] : memref<819200x64xf32, #tpu.memory_space<hbm>> -> memref<512x64xf32, #tpu.memory_space<hbm>>
    %dma_wait3A_497 = arith.constant 0 : i32
    %dma_wait3A_498 = tpu.memref_slice %arg4[%mul3A_2, %dma_wait3A_497] : memref<819200x64xf32, #tpu.memory_space<hbm>> -> memref<512x64xf32, #tpu.memory_space<hbm>>
    tpu.wait_dma2 semaphore(%arg10 : memref<!tpu.dma_semaphore, #tpu.memory_space<semaphore_mem>>) src(%arg7 : memref<512x64xf32, #tpu.memory_space<vmem>>) dst(%dma_wait3A_498 : memref<512x64xf32, #tpu.memory_space<hbm>>)
    %dma_wait3A_499 = arith.constant 0 : i32
    %dma_wait3A_500 = tpu.memref_slice %arg4[%mul3A_2, %dma_wait3A_499] : memref<819200x64xf32, #tpu.memory_space<hbm>> -> memref<512x64xf32, #tpu.memory_space<hbm>>
    %dma_wait3A_501 = arith.constant 0 : i32
    %dma_wait3A_502 = tpu.memref_slice %arg4[%mul3A_2, %dma_wait3A_501] : memref<819200x64xf32, #tpu.memory_space<hbm>> -> memref<512x64xf32, #tpu.memory_space<hbm>>
    tpu.wait_dma2 semaphore(%arg10 : memref<!tpu.dma_semaphore, #tpu.memory_space<semaphore_mem>>) src(%arg7 : memref<512x64xf32, #tpu.memory_space<vmem>>) dst(%dma_wait3A_502 : memref<512x64xf32, #tpu.memory_space<hbm>>)
    %dma_wait3A_503 = arith.constant 0 : i32
    %dma_wait3A_504 = tpu.memref_slice %arg4[%mul3A_2, %dma_wait3A_503] : memref<819200x64xf32, #tpu.memory_space<hbm>> -> memref<512x64xf32, #tpu.memory_space<hbm>>
    %dma_wait3A_505 = arith.constant 0 : i32
    %dma_wait3A_506 = tpu.memref_slice %arg4[%mul3A_2, %dma_wait3A_505] : memref<819200x64xf32, #tpu.memory_space<hbm>> -> memref<512x64xf32, #tpu.memory_space<hbm>>
    tpu.wait_dma2 semaphore(%arg10 : memref<!tpu.dma_semaphore, #tpu.memory_space<semaphore_mem>>) src(%arg7 : memref<512x64xf32, #tpu.memory_space<vmem>>) dst(%dma_wait3A_506 : memref<512x64xf32, #tpu.memory_space<hbm>>)
    %dma_wait3A_507 = arith.constant 0 : i32
    %dma_wait3A_508 = tpu.memref_slice %arg4[%mul3A_2, %dma_wait3A_507] : memref<819200x64xf32, #tpu.memory_space<hbm>> -> memref<512x64xf32, #tpu.memory_space<hbm>>
    %dma_wait3A_509 = arith.constant 0 : i32
    %dma_wait3A_510 = tpu.memref_slice %arg4[%mul3A_2, %dma_wait3A_509] : memref<819200x64xf32, #tpu.memory_space<hbm>> -> memref<512x64xf32, #tpu.memory_space<hbm>>
    tpu.wait_dma2 semaphore(%arg10 : memref<!tpu.dma_semaphore, #tpu.memory_space<semaphore_mem>>) src(%arg7 : memref<512x64xf32, #tpu.memory_space<vmem>>) dst(%dma_wait3A_510 : memref<512x64xf32, #tpu.memory_space<hbm>>)
    %dma_wait3A_511 = arith.constant 0 : i32
    %dma_wait3A_512 = tpu.memref_slice %arg4[%mul3A_2, %dma_wait3A_511] : memref<819200x64xf32, #tpu.memory_space<hbm>> -> memref<512x64xf32, #tpu.memory_space<hbm>>
    %dma_wait3A_513 = arith.constant 0 : i32
    %dma_wait3A_514 = tpu.memref_slice %arg4[%mul3A_2, %dma_wait3A_513] : memref<819200x64xf32, #tpu.memory_space<hbm>> -> memref<512x64xf32, #tpu.memory_space<hbm>>
    tpu.wait_dma2 semaphore(%arg10 : memref<!tpu.dma_semaphore, #tpu.memory_space<semaphore_mem>>) src(%arg7 : memref<512x64xf32, #tpu.memory_space<vmem>>) dst(%dma_wait3A_514 : memref<512x64xf32, #tpu.memory_space<hbm>>)
    %dma_wait3A_515 = arith.constant 0 : i32
    %dma_wait3A_516 = tpu.memref_slice %arg4[%mul3A_2, %dma_wait3A_515] : memref<819200x64xf32, #tpu.memory_space<hbm>> -> memref<512x64xf32, #tpu.memory_space<hbm>>
    %dma_wait3A_517 = arith.constant 0 : i32
    %dma_wait3A_518 = tpu.memref_slice %arg4[%mul3A_2, %dma_wait3A_517] : memref<819200x64xf32, #tpu.memory_space<hbm>> -> memref<512x64xf32, #tpu.memory_space<hbm>>
    tpu.wait_dma2 semaphore(%arg10 : memref<!tpu.dma_semaphore, #tpu.memory_space<semaphore_mem>>) src(%arg7 : memref<512x64xf32, #tpu.memory_space<vmem>>) dst(%dma_wait3A_518 : memref<512x64xf32, #tpu.memory_space<hbm>>)
    %dma_wait3A_519 = arith.constant 0 : i32
    %dma_wait3A_520 = tpu.memref_slice %arg4[%mul3A_2, %dma_wait3A_519] : memref<819200x64xf32, #tpu.memory_space<hbm>> -> memref<512x64xf32, #tpu.memory_space<hbm>>
    %dma_wait3A_521 = arith.constant 0 : i32
    %dma_wait3A_522 = tpu.memref_slice %arg4[%mul3A_2, %dma_wait3A_521] : memref<819200x64xf32, #tpu.memory_space<hbm>> -> memref<512x64xf32, #tpu.memory_space<hbm>>
    tpu.wait_dma2 semaphore(%arg10 : memref<!tpu.dma_semaphore, #tpu.memory_space<semaphore_mem>>) src(%arg7 : memref<512x64xf32, #tpu.memory_space<vmem>>) dst(%dma_wait3A_522 : memref<512x64xf32, #tpu.memory_space<hbm>>)
    %dma_wait3A_523 = arith.constant 0 : i32
    %dma_wait3A_524 = tpu.memref_slice %arg4[%mul3A_2, %dma_wait3A_523] : memref<819200x64xf32, #tpu.memory_space<hbm>> -> memref<512x64xf32, #tpu.memory_space<hbm>>
    %dma_wait3A_525 = arith.constant 0 : i32
    %dma_wait3A_526 = tpu.memref_slice %arg4[%mul3A_2, %dma_wait3A_525] : memref<819200x64xf32, #tpu.memory_space<hbm>> -> memref<512x64xf32, #tpu.memory_space<hbm>>
    tpu.wait_dma2 semaphore(%arg10 : memref<!tpu.dma_semaphore, #tpu.memory_space<semaphore_mem>>) src(%arg7 : memref<512x64xf32, #tpu.memory_space<vmem>>) dst(%dma_wait3A_526 : memref<512x64xf32, #tpu.memory_space<hbm>>)
    %dma_wait3A_527 = arith.constant 0 : i32
    %dma_wait3A_528 = tpu.memref_slice %arg4[%mul3A_2, %dma_wait3A_527] : memref<819200x64xf32, #tpu.memory_space<hbm>> -> memref<512x64xf32, #tpu.memory_space<hbm>>
    %dma_wait3A_529 = arith.constant 0 : i32
    %dma_wait3A_530 = tpu.memref_slice %arg4[%mul3A_2, %dma_wait3A_529] : memref<819200x64xf32, #tpu.memory_space<hbm>> -> memref<512x64xf32, #tpu.memory_space<hbm>>
    tpu.wait_dma2 semaphore(%arg10 : memref<!tpu.dma_semaphore, #tpu.memory_space<semaphore_mem>>) src(%arg7 : memref<512x64xf32, #tpu.memory_space<vmem>>) dst(%dma_wait3A_530 : memref<512x64xf32, #tpu.memory_space<hbm>>)
    %dma_wait3A_531 = arith.constant 0 : i32
    %dma_wait3A_532 = tpu.memref_slice %arg4[%mul3A_2, %dma_wait3A_531] : memref<819200x64xf32, #tpu.memory_space<hbm>> -> memref<512x64xf32, #tpu.memory_space<hbm>>
    %dma_wait3A_533 = arith.constant 0 : i32
    %dma_wait3A_534 = tpu.memref_slice %arg4[%mul3A_2, %dma_wait3A_533] : memref<819200x64xf32, #tpu.memory_space<hbm>> -> memref<512x64xf32, #tpu.memory_space<hbm>>
    tpu.wait_dma2 semaphore(%arg10 : memref<!tpu.dma_semaphore, #tpu.memory_space<semaphore_mem>>) src(%arg7 : memref<512x64xf32, #tpu.memory_space<vmem>>) dst(%dma_wait3A_534 : memref<512x64xf32, #tpu.memory_space<hbm>>)
    %dma_wait3A_535 = arith.constant 0 : i32
    %dma_wait3A_536 = tpu.memref_slice %arg4[%mul3A_2, %dma_wait3A_535] : memref<819200x64xf32, #tpu.memory_space<hbm>> -> memref<512x64xf32, #tpu.memory_space<hbm>>
    %dma_wait3A_537 = arith.constant 0 : i32
    %dma_wait3A_538 = tpu.memref_slice %arg4[%mul3A_2, %dma_wait3A_537] : memref<819200x64xf32, #tpu.memory_space<hbm>> -> memref<512x64xf32, #tpu.memory_space<hbm>>
    tpu.wait_dma2 semaphore(%arg10 : memref<!tpu.dma_semaphore, #tpu.memory_space<semaphore_mem>>) src(%arg7 : memref<512x64xf32, #tpu.memory_space<vmem>>) dst(%dma_wait3A_538 : memref<512x64xf32, #tpu.memory_space<hbm>>)
    %dma_wait3A_539 = arith.constant 0 : i32
    %dma_wait3A_540 = tpu.memref_slice %arg4[%mul3A_2, %dma_wait3A_539] : memref<819200x64xf32, #tpu.memory_space<hbm>> -> memref<512x64xf32, #tpu.memory_space<hbm>>
    %dma_wait3A_541 = arith.constant 0 : i32
    %dma_wait3A_542 = tpu.memref_slice %arg4[%mul3A_2, %dma_wait3A_541] : memref<819200x64xf32, #tpu.memory_space<hbm>> -> memref<512x64xf32, #tpu.memory_space<hbm>>
    tpu.wait_dma2 semaphore(%arg10 : memref<!tpu.dma_semaphore, #tpu.memory_space<semaphore_mem>>) src(%arg7 : memref<512x64xf32, #tpu.memory_space<vmem>>) dst(%dma_wait3A_542 : memref<512x64xf32, #tpu.memory_space<hbm>>)
    %dma_wait3A_543 = arith.constant 0 : i32
    %dma_wait3A_544 = tpu.memref_slice %arg4[%mul3A_2, %dma_wait3A_543] : memref<819200x64xf32, #tpu.memory_space<hbm>> -> memref<512x64xf32, #tpu.memory_space<hbm>>
    %dma_wait3A_545 = arith.constant 0 : i32
    %dma_wait3A_546 = tpu.memref_slice %arg4[%mul3A_2, %dma_wait3A_545] : memref<819200x64xf32, #tpu.memory_space<hbm>> -> memref<512x64xf32, #tpu.memory_space<hbm>>
    tpu.wait_dma2 semaphore(%arg10 : memref<!tpu.dma_semaphore, #tpu.memory_space<semaphore_mem>>) src(%arg7 : memref<512x64xf32, #tpu.memory_space<vmem>>) dst(%dma_wait3A_546 : memref<512x64xf32, #tpu.memory_space<hbm>>)
    %dma_wait3A_547 = arith.constant 0 : i32
    %dma_wait3A_548 = tpu.memref_slice %arg4[%mul3A_2, %dma_wait3A_547] : memref<819200x64xf32, #tpu.memory_space<hbm>> -> memref<512x64xf32, #tpu.memory_space<hbm>>
    %dma_wait3A_549 = arith.constant 0 : i32
    %dma_wait3A_550 = tpu.memref_slice %arg4[%mul3A_2, %dma_wait3A_549] : memref<819200x64xf32, #tpu.memory_space<hbm>> -> memref<512x64xf32, #tpu.memory_space<hbm>>
    tpu.wait_dma2 semaphore(%arg10 : memref<!tpu.dma_semaphore, #tpu.memory_space<semaphore_mem>>) src(%arg7 : memref<512x64xf32, #tpu.memory_space<vmem>>) dst(%dma_wait3A_550 : memref<512x64xf32, #tpu.memory_space<hbm>>)
    %dma_wait3A_551 = arith.constant 0 : i32
    %dma_wait3A_552 = tpu.memref_slice %arg4[%mul3A_2, %dma_wait3A_551] : memref<819200x64xf32, #tpu.memory_space<hbm>> -> memref<512x64xf32, #tpu.memory_space<hbm>>
    %dma_wait3A_553 = arith.constant 0 : i32
    %dma_wait3A_554 = tpu.memref_slice %arg4[%mul3A_2, %dma_wait3A_553] : memref<819200x64xf32, #tpu.memory_space<hbm>> -> memref<512x64xf32, #tpu.memory_space<hbm>>
    tpu.wait_dma2 semaphore(%arg10 : memref<!tpu.dma_semaphore, #tpu.memory_space<semaphore_mem>>) src(%arg7 : memref<512x64xf32, #tpu.memory_space<vmem>>) dst(%dma_wait3A_554 : memref<512x64xf32, #tpu.memory_space<hbm>>)
    %dma_wait3A_555 = arith.constant 0 : i32
    %dma_wait3A_556 = tpu.memref_slice %arg4[%mul3A_2, %dma_wait3A_555] : memref<819200x64xf32, #tpu.memory_space<hbm>> -> memref<512x64xf32, #tpu.memory_space<hbm>>
    %dma_wait3A_557 = arith.constant 0 : i32
    %dma_wait3A_558 = tpu.memref_slice %arg4[%mul3A_2, %dma_wait3A_557] : memref<819200x64xf32, #tpu.memory_space<hbm>> -> memref<512x64xf32, #tpu.memory_space<hbm>>
    tpu.wait_dma2 semaphore(%arg10 : memref<!tpu.dma_semaphore, #tpu.memory_space<semaphore_mem>>) src(%arg7 : memref<512x64xf32, #tpu.memory_space<vmem>>) dst(%dma_wait3A_558 : memref<512x64xf32, #tpu.memory_space<hbm>>)
    %dma_wait3A_559 = arith.constant 0 : i32
    %dma_wait3A_560 = tpu.memref_slice %arg4[%mul3A_2, %dma_wait3A_559] : memref<819200x64xf32, #tpu.memory_space<hbm>> -> memref<512x64xf32, #tpu.memory_space<hbm>>
    %dma_wait3A_561 = arith.constant 0 : i32
    %dma_wait3A_562 = tpu.memref_slice %arg4[%mul3A_2, %dma_wait3A_561] : memref<819200x64xf32, #tpu.memory_space<hbm>> -> memref<512x64xf32, #tpu.memory_space<hbm>>
    tpu.wait_dma2 semaphore(%arg10 : memref<!tpu.dma_semaphore, #tpu.memory_space<semaphore_mem>>) src(%arg7 : memref<512x64xf32, #tpu.memory_space<vmem>>) dst(%dma_wait3A_562 : memref<512x64xf32, #tpu.memory_space<hbm>>)
    %dma_wait3A_563 = arith.constant 0 : i32
    %dma_wait3A_564 = tpu.memref_slice %arg4[%mul3A_2, %dma_wait3A_563] : memref<819200x64xf32, #tpu.memory_space<hbm>> -> memref<512x64xf32, #tpu.memory_space<hbm>>
    %dma_wait3A_565 = arith.constant 0 : i32
    %dma_wait3A_566 = tpu.memref_slice %arg4[%mul3A_2, %dma_wait3A_565] : memref<819200x64xf32, #tpu.memory_space<hbm>> -> memref<512x64xf32, #tpu.memory_space<hbm>>
    tpu.wait_dma2 semaphore(%arg10 : memref<!tpu.dma_semaphore, #tpu.memory_space<semaphore_mem>>) src(%arg7 : memref<512x64xf32, #tpu.memory_space<vmem>>) dst(%dma_wait3A_566 : memref<512x64xf32, #tpu.memory_space<hbm>>)
    %dma_wait3A_567 = arith.constant 0 : i32
    %dma_wait3A_568 = tpu.memref_slice %arg4[%mul3A_2, %dma_wait3A_567] : memref<819200x64xf32, #tpu.memory_space<hbm>> -> memref<512x64xf32, #tpu.memory_space<hbm>>
    %dma_wait3A_569 = arith.constant 0 : i32
    %dma_wait3A_570 = tpu.memref_slice %arg4[%mul3A_2, %dma_wait3A_569] : memref<819200x64xf32, #tpu.memory_space<hbm>> -> memref<512x64xf32, #tpu.memory_space<hbm>>
    tpu.wait_dma2 semaphore(%arg10 : memref<!tpu.dma_semaphore, #tpu.memory_space<semaphore_mem>>) src(%arg7 : memref<512x64xf32, #tpu.memory_space<vmem>>) dst(%dma_wait3A_570 : memref<512x64xf32, #tpu.memory_space<hbm>>)
    %add3A_571 = arith.constant 1 : i32
    %add3A_572 = arith.addi %shift_right_arithmetic3A_349, %add3A_571 : i32
    %shift_right_arithmetic3A_573 = arith.constant 1 : i32
    %shift_right_arithmetic3A_574 = arith.shrsi %add3A_572, %shift_right_arithmetic3A_573 : i32
    %while3A_575 = arith.constant 0 : i32
    %while3A_576 = arith.constant 0 : i32
    %while3A_577 = arith.subi %shift_right_arithmetic3A_574, %while3A_576 : i32
    %while3A_578 = arith.addi %while3A_576, %while3A_577 : i32
    %while3A_579 = arith.constant 1 : i32
    %while3A_580 = arith.divsi %while3A_577, %while3A_579 : i32
    %while3A_581 = arith.muli %while3A_580, %while3A_579 : i32
    %while3A_582 = arith.addi %while3A_576, %while3A_581 : i32
    %while3A_583 = arith.constant 1 : i32
    scf.for %while3A_595 = %while3A_576 to %while3A_582 step %while3A_583  : i32 {
      %mul3A_596 = arith.constant 2 : i32
      %mul3A_597 = arith.muli %mul3A_596, %while3A_595 : i32
      %mul3A_598 = arith.constant 2 : i32
      %mul3A_599 = arith.muli %mul3A_598, %while3A_595 : i32
      %add3A_600 = arith.constant 1 : i32
      %add3A_601 = arith.addi %mul3A_599, %add3A_600 : i32
      %lt3A = arith.cmpi slt, %mul3A_597, %shift_right_arithmetic3A_349 : i32
      %convert_element_type3A_602 = arith.extui %lt3A : i1 to i32
      %cond3A_603 = arith.constant 0 : i32
      %cond3A_604 = arith.cmpi ne, %convert_element_type3A_602, %cond3A_603 : i32
      scf.if %cond3A_604 {
        %dma_wait3A_621 = arith.constant 0 : i32
        %dma_wait3A_622 = tpu.memref_slice %arg5[%dma_wait3A_621] : memref<25600xi32, #tpu.memory_space<vmem>> -> memref<256xi32, #tpu.memory_space<vmem>>
        %dma_wait3A_623 = arith.constant 0 : i32
        %dma_wait3A_624 = arith.constant 0 : i32
        %dma_wait3A_625 = tpu.memref_slice %arg3[%dma_wait3A_623, %dma_wait3A_624] : memref<250000x64xf32, #tpu.memory_space<hbm>> -> memref<250000x64xf32, #tpu.memory_space<hbm>>
        tpu.wait_indirect_dma semaphore(%arg11 : memref<!tpu.dma_semaphore, #tpu.memory_space<semaphore_mem>>) src(%dma_wait3A_625 : memref<250000x64xf32, #tpu.memory_space<hbm>>) dst(%arg8 : memref<256x64xf32, #tpu.memory_space<vmem>>)
        %mul3A_626 = arith.constant 256 : i32
        %mul3A_627 = arith.muli %mul3A_597, %mul3A_626 : i32
        %dma_start3A_628 = tpu.memref_slice %arg6[%mul3A_627] : memref<25600xi32, #tpu.memory_space<vmem>> -> memref<256xi32, #tpu.memory_space<vmem>>
        %dma_start3A_629 = arith.constant 0 : i32
        %dma_start3A_630 = arith.constant 0 : i32
        %dma_start3A_631 = tpu.memref_slice %arg4[%dma_start3A_629, %dma_start3A_630] : memref<819200x64xf32, #tpu.memory_space<hbm>> -> memref<819200x64xf32, #tpu.memory_space<hbm>>
        tpu.enqueue_indirect_dma source(%arg8 : memref<256x64xf32, #tpu.memory_space<vmem>>) target(%dma_start3A_631 : memref<819200x64xf32, #tpu.memory_space<hbm>>) offsets(%dma_start3A_628 : memref<256xi32, #tpu.memory_space<vmem>>) semaphore(%arg13 : memref<!tpu.dma_semaphore, #tpu.memory_space<semaphore_mem>>)
      } else {
      }
      %lt3A_605 = arith.cmpi slt, %add3A_601, %shift_right_arithmetic3A_349 : i32
      %convert_element_type3A_606 = arith.extui %lt3A_605 : i1 to i32
      %cond3A_607 = arith.constant 0 : i32
      %cond3A_608 = arith.cmpi ne, %convert_element_type3A_606, %cond3A_607 : i32
      scf.if %cond3A_608 {
        %dma_wait3A_621 = arith.constant 0 : i32
        %dma_wait3A_622 = tpu.memref_slice %arg5[%dma_wait3A_621] : memref<25600xi32, #tpu.memory_space<vmem>> -> memref<256xi32, #tpu.memory_space<vmem>>
        %dma_wait3A_623 = arith.constant 0 : i32
        %dma_wait3A_624 = arith.constant 0 : i32
        %dma_wait3A_625 = tpu.memref_slice %arg3[%dma_wait3A_623, %dma_wait3A_624] : memref<250000x64xf32, #tpu.memory_space<hbm>> -> memref<250000x64xf32, #tpu.memory_space<hbm>>
        tpu.wait_indirect_dma semaphore(%arg12 : memref<!tpu.dma_semaphore, #tpu.memory_space<semaphore_mem>>) src(%dma_wait3A_625 : memref<250000x64xf32, #tpu.memory_space<hbm>>) dst(%arg9 : memref<256x64xf32, #tpu.memory_space<vmem>>)
        %mul3A_626 = arith.constant 256 : i32
        %mul3A_627 = arith.muli %add3A_601, %mul3A_626 : i32
        %dma_start3A_628 = tpu.memref_slice %arg6[%mul3A_627] : memref<25600xi32, #tpu.memory_space<vmem>> -> memref<256xi32, #tpu.memory_space<vmem>>
        %dma_start3A_629 = arith.constant 0 : i32
        %dma_start3A_630 = arith.constant 0 : i32
        %dma_start3A_631 = tpu.memref_slice %arg4[%dma_start3A_629, %dma_start3A_630] : memref<819200x64xf32, #tpu.memory_space<hbm>> -> memref<819200x64xf32, #tpu.memory_space<hbm>>
        tpu.enqueue_indirect_dma source(%arg9 : memref<256x64xf32, #tpu.memory_space<vmem>>) target(%dma_start3A_631 : memref<819200x64xf32, #tpu.memory_space<hbm>>) offsets(%dma_start3A_628 : memref<256xi32, #tpu.memory_space<vmem>>) semaphore(%arg14 : memref<!tpu.dma_semaphore, #tpu.memory_space<semaphore_mem>>)
      } else {
      }
      %add3A_609 = arith.constant 2 : i32
      %add3A_610 = arith.addi %mul3A_597, %add3A_609 : i32
      %lt3A_611 = arith.cmpi slt, %add3A_610, %shift_right_arithmetic3A_349 : i32
      %convert_element_type3A_612 = arith.extui %lt3A_611 : i1 to i32
      %cond3A_613 = arith.constant 0 : i32
      %cond3A_614 = arith.cmpi ne, %convert_element_type3A_612, %cond3A_613 : i32
      scf.if %cond3A_614 {
        %dma_wait3A_621 = arith.constant 0 : i32
        %dma_wait3A_622 = tpu.memref_slice %arg6[%dma_wait3A_621] : memref<25600xi32, #tpu.memory_space<vmem>> -> memref<256xi32, #tpu.memory_space<vmem>>
        %dma_wait3A_623 = arith.constant 0 : i32
        %dma_wait3A_624 = arith.constant 0 : i32
        %dma_wait3A_625 = tpu.memref_slice %arg4[%dma_wait3A_623, %dma_wait3A_624] : memref<819200x64xf32, #tpu.memory_space<hbm>> -> memref<819200x64xf32, #tpu.memory_space<hbm>>
        tpu.wait_indirect_dma semaphore(%arg13 : memref<!tpu.dma_semaphore, #tpu.memory_space<semaphore_mem>>) src(%arg8 : memref<256x64xf32, #tpu.memory_space<vmem>>) dst(%dma_wait3A_625 : memref<819200x64xf32, #tpu.memory_space<hbm>>)
        %add3A_626 = arith.constant 2 : i32
        %add3A_627 = arith.addi %mul3A_597, %add3A_626 : i32
        %mul3A_628 = arith.constant 256 : i32
        %mul3A_629 = arith.muli %add3A_627, %mul3A_628 : i32
        %dma_start3A_630 = tpu.memref_slice %arg5[%mul3A_629] : memref<25600xi32, #tpu.memory_space<vmem>> -> memref<256xi32, #tpu.memory_space<vmem>>
        %dma_start3A_631 = arith.constant 0 : i32
        %dma_start3A_632 = arith.constant 0 : i32
        %dma_start3A_633 = tpu.memref_slice %arg3[%dma_start3A_631, %dma_start3A_632] : memref<250000x64xf32, #tpu.memory_space<hbm>> -> memref<250000x64xf32, #tpu.memory_space<hbm>>
        tpu.enqueue_indirect_dma source(%dma_start3A_633 : memref<250000x64xf32, #tpu.memory_space<hbm>>) target(%arg8 : memref<256x64xf32, #tpu.memory_space<vmem>>) offsets(%dma_start3A_630 : memref<256xi32, #tpu.memory_space<vmem>>) semaphore(%arg11 : memref<!tpu.dma_semaphore, #tpu.memory_space<semaphore_mem>>)
      } else {
      }
      %add3A_615 = arith.constant 2 : i32
      %add3A_616 = arith.addi %add3A_601, %add3A_615 : i32
      %lt3A_617 = arith.cmpi slt, %add3A_616, %shift_right_arithmetic3A_349 : i32
      %convert_element_type3A_618 = arith.extui %lt3A_617 : i1 to i32
      %cond3A_619 = arith.constant 0 : i32
      %cond3A_620 = arith.cmpi ne, %convert_element_type3A_618, %cond3A_619 : i32
      scf.if %cond3A_620 {
        %dma_wait3A_621 = arith.constant 0 : i32
        %dma_wait3A_622 = tpu.memref_slice %arg6[%dma_wait3A_621] : memref<25600xi32, #tpu.memory_space<vmem>> -> memref<256xi32, #tpu.memory_space<vmem>>
        %dma_wait3A_623 = arith.constant 0 : i32
        %dma_wait3A_624 = arith.constant 0 : i32
        %dma_wait3A_625 = tpu.memref_slice %arg4[%dma_wait3A_623, %dma_wait3A_624] : memref<819200x64xf32, #tpu.memory_space<hbm>> -> memref<819200x64xf32, #tpu.memory_space<hbm>>
        tpu.wait_indirect_dma semaphore(%arg14 : memref<!tpu.dma_semaphore, #tpu.memory_space<semaphore_mem>>) src(%arg9 : memref<256x64xf32, #tpu.memory_space<vmem>>) dst(%dma_wait3A_625 : memref<819200x64xf32, #tpu.memory_space<hbm>>)
        %add3A_626 = arith.constant 2 : i32
        %add3A_627 = arith.addi %add3A_601, %add3A_626 : i32
        %mul3A_628 = arith.constant 256 : i32
        %mul3A_629 = arith.muli %add3A_627, %mul3A_628 : i32
        %dma_start3A_630 = tpu.memref_slice %arg5[%mul3A_629] : memref<25600xi32, #tpu.memory_space<vmem>> -> memref<256xi32, #tpu.memory_space<vmem>>
        %dma_start3A_631 = arith.constant 0 : i32
        %dma_start3A_632 = arith.constant 0 : i32
        %dma_start3A_633 = tpu.memref_slice %arg3[%dma_start3A_631, %dma_start3A_632] : memref<250000x64xf32, #tpu.memory_space<hbm>> -> memref<250000x64xf32, #tpu.memory_space<hbm>>
        tpu.enqueue_indirect_dma source(%dma_start3A_633 : memref<250000x64xf32, #tpu.memory_space<hbm>>) target(%arg9 : memref<256x64xf32, #tpu.memory_space<vmem>>) offsets(%dma_start3A_630 : memref<256xi32, #tpu.memory_space<vmem>>) semaphore(%arg12 : memref<!tpu.dma_semaphore, #tpu.memory_space<semaphore_mem>>)
      } else {
      }
    }
    %while3A_584 = arith.constant 1 : i32
    scf.for %while3A_595 = %while3A_582 to %while3A_578 step %while3A_584  : i32 {
      %mul3A_596 = arith.constant 2 : i32
      %mul3A_597 = arith.muli %mul3A_596, %while3A_595 : i32
      %mul3A_598 = arith.constant 2 : i32
      %mul3A_599 = arith.muli %mul3A_598, %while3A_595 : i32
      %add3A_600 = arith.constant 1 : i32
      %add3A_601 = arith.addi %mul3A_599, %add3A_600 : i32
      %lt3A = arith.cmpi slt, %mul3A_597, %shift_right_arithmetic3A_349 : i32
      %convert_element_type3A_602 = arith.extui %lt3A : i1 to i32
      %cond3A_603 = arith.constant 0 : i32
      %cond3A_604 = arith.cmpi ne, %convert_element_type3A_602, %cond3A_603 : i32
      scf.if %cond3A_604 {
        %dma_wait3A_621 = arith.constant 0 : i32
        %dma_wait3A_622 = tpu.memref_slice %arg5[%dma_wait3A_621] : memref<25600xi32, #tpu.memory_space<vmem>> -> memref<256xi32, #tpu.memory_space<vmem>>
        %dma_wait3A_623 = arith.constant 0 : i32
        %dma_wait3A_624 = arith.constant 0 : i32
        %dma_wait3A_625 = tpu.memref_slice %arg3[%dma_wait3A_623, %dma_wait3A_624] : memref<250000x64xf32, #tpu.memory_space<hbm>> -> memref<250000x64xf32, #tpu.memory_space<hbm>>
        tpu.wait_indirect_dma semaphore(%arg11 : memref<!tpu.dma_semaphore, #tpu.memory_space<semaphore_mem>>) src(%dma_wait3A_625 : memref<250000x64xf32, #tpu.memory_space<hbm>>) dst(%arg8 : memref<256x64xf32, #tpu.memory_space<vmem>>)
        %mul3A_626 = arith.constant 256 : i32
        %mul3A_627 = arith.muli %mul3A_597, %mul3A_626 : i32
        %dma_start3A_628 = tpu.memref_slice %arg6[%mul3A_627] : memref<25600xi32, #tpu.memory_space<vmem>> -> memref<256xi32, #tpu.memory_space<vmem>>
        %dma_start3A_629 = arith.constant 0 : i32
        %dma_start3A_630 = arith.constant 0 : i32
        %dma_start3A_631 = tpu.memref_slice %arg4[%dma_start3A_629, %dma_start3A_630] : memref<819200x64xf32, #tpu.memory_space<hbm>> -> memref<819200x64xf32, #tpu.memory_space<hbm>>
        tpu.enqueue_indirect_dma source(%arg8 : memref<256x64xf32, #tpu.memory_space<vmem>>) target(%dma_start3A_631 : memref<819200x64xf32, #tpu.memory_space<hbm>>) offsets(%dma_start3A_628 : memref<256xi32, #tpu.memory_space<vmem>>) semaphore(%arg13 : memref<!tpu.dma_semaphore, #tpu.memory_space<semaphore_mem>>)
      } else {
      }
      %lt3A_605 = arith.cmpi slt, %add3A_601, %shift_right_arithmetic3A_349 : i32
      %convert_element_type3A_606 = arith.extui %lt3A_605 : i1 to i32
      %cond3A_607 = arith.constant 0 : i32
      %cond3A_608 = arith.cmpi ne, %convert_element_type3A_606, %cond3A_607 : i32
      scf.if %cond3A_608 {
        %dma_wait3A_621 = arith.constant 0 : i32
        %dma_wait3A_622 = tpu.memref_slice %arg5[%dma_wait3A_621] : memref<25600xi32, #tpu.memory_space<vmem>> -> memref<256xi32, #tpu.memory_space<vmem>>
        %dma_wait3A_623 = arith.constant 0 : i32
        %dma_wait3A_624 = arith.constant 0 : i32
        %dma_wait3A_625 = tpu.memref_slice %arg3[%dma_wait3A_623, %dma_wait3A_624] : memref<250000x64xf32, #tpu.memory_space<hbm>> -> memref<250000x64xf32, #tpu.memory_space<hbm>>
        tpu.wait_indirect_dma semaphore(%arg12 : memref<!tpu.dma_semaphore, #tpu.memory_space<semaphore_mem>>) src(%dma_wait3A_625 : memref<250000x64xf32, #tpu.memory_space<hbm>>) dst(%arg9 : memref<256x64xf32, #tpu.memory_space<vmem>>)
        %mul3A_626 = arith.constant 256 : i32
        %mul3A_627 = arith.muli %add3A_601, %mul3A_626 : i32
        %dma_start3A_628 = tpu.memref_slice %arg6[%mul3A_627] : memref<25600xi32, #tpu.memory_space<vmem>> -> memref<256xi32, #tpu.memory_space<vmem>>
        %dma_start3A_629 = arith.constant 0 : i32
        %dma_start3A_630 = arith.constant 0 : i32
        %dma_start3A_631 = tpu.memref_slice %arg4[%dma_start3A_629, %dma_start3A_630] : memref<819200x64xf32, #tpu.memory_space<hbm>> -> memref<819200x64xf32, #tpu.memory_space<hbm>>
        tpu.enqueue_indirect_dma source(%arg9 : memref<256x64xf32, #tpu.memory_space<vmem>>) target(%dma_start3A_631 : memref<819200x64xf32, #tpu.memory_space<hbm>>) offsets(%dma_start3A_628 : memref<256xi32, #tpu.memory_space<vmem>>) semaphore(%arg14 : memref<!tpu.dma_semaphore, #tpu.memory_space<semaphore_mem>>)
      } else {
      }
      %add3A_609 = arith.constant 2 : i32
      %add3A_610 = arith.addi %mul3A_597, %add3A_609 : i32
      %lt3A_611 = arith.cmpi slt, %add3A_610, %shift_right_arithmetic3A_349 : i32
      %convert_element_type3A_612 = arith.extui %lt3A_611 : i1 to i32
      %cond3A_613 = arith.constant 0 : i32
      %cond3A_614 = arith.cmpi ne, %convert_element_type3A_612, %cond3A_613 : i32
      scf.if %cond3A_614 {
        %dma_wait3A_621 = arith.constant 0 : i32
        %dma_wait3A_622 = tpu.memref_slice %arg6[%dma_wait3A_621] : memref<25600xi32, #tpu.memory_space<vmem>> -> memref<256xi32, #tpu.memory_space<vmem>>
        %dma_wait3A_623 = arith.constant 0 : i32
        %dma_wait3A_624 = arith.constant 0 : i32
        %dma_wait3A_625 = tpu.memref_slice %arg4[%dma_wait3A_623, %dma_wait3A_624] : memref<819200x64xf32, #tpu.memory_space<hbm>> -> memref<819200x64xf32, #tpu.memory_space<hbm>>
        tpu.wait_indirect_dma semaphore(%arg13 : memref<!tpu.dma_semaphore, #tpu.memory_space<semaphore_mem>>) src(%arg8 : memref<256x64xf32, #tpu.memory_space<vmem>>) dst(%dma_wait3A_625 : memref<819200x64xf32, #tpu.memory_space<hbm>>)
        %add3A_626 = arith.constant 2 : i32
        %add3A_627 = arith.addi %mul3A_597, %add3A_626 : i32
        %mul3A_628 = arith.constant 256 : i32
        %mul3A_629 = arith.muli %add3A_627, %mul3A_628 : i32
        %dma_start3A_630 = tpu.memref_slice %arg5[%mul3A_629] : memref<25600xi32, #tpu.memory_space<vmem>> -> memref<256xi32, #tpu.memory_space<vmem>>
        %dma_start3A_631 = arith.constant 0 : i32
        %dma_start3A_632 = arith.constant 0 : i32
        %dma_start3A_633 = tpu.memref_slice %arg3[%dma_start3A_631, %dma_start3A_632] : memref<250000x64xf32, #tpu.memory_space<hbm>> -> memref<250000x64xf32, #tpu.memory_space<hbm>>
        tpu.enqueue_indirect_dma source(%dma_start3A_633 : memref<250000x64xf32, #tpu.memory_space<hbm>>) target(%arg8 : memref<256x64xf32, #tpu.memory_space<vmem>>) offsets(%dma_start3A_630 : memref<256xi32, #tpu.memory_space<vmem>>) semaphore(%arg11 : memref<!tpu.dma_semaphore, #tpu.memory_space<semaphore_mem>>)
      } else {
      }
      %add3A_615 = arith.constant 2 : i32
      %add3A_616 = arith.addi %add3A_601, %add3A_615 : i32
      %lt3A_617 = arith.cmpi slt, %add3A_616, %shift_right_arithmetic3A_349 : i32
      %convert_element_type3A_618 = arith.extui %lt3A_617 : i1 to i32
      %cond3A_619 = arith.constant 0 : i32
      %cond3A_620 = arith.cmpi ne, %convert_element_type3A_618, %cond3A_619 : i32
      scf.if %cond3A_620 {
        %dma_wait3A_621 = arith.constant 0 : i32
        %dma_wait3A_622 = tpu.memref_slice %arg6[%dma_wait3A_621] : memref<25600xi32, #tpu.memory_space<vmem>> -> memref<256xi32, #tpu.memory_space<vmem>>
        %dma_wait3A_623 = arith.constant 0 : i32
        %dma_wait3A_624 = arith.constant 0 : i32
        %dma_wait3A_625 = tpu.memref_slice %arg4[%dma_wait3A_623, %dma_wait3A_624] : memref<819200x64xf32, #tpu.memory_space<hbm>> -> memref<819200x64xf32, #tpu.memory_space<hbm>>
        tpu.wait_indirect_dma semaphore(%arg14 : memref<!tpu.dma_semaphore, #tpu.memory_space<semaphore_mem>>) src(%arg9 : memref<256x64xf32, #tpu.memory_space<vmem>>) dst(%dma_wait3A_625 : memref<819200x64xf32, #tpu.memory_space<hbm>>)
        %add3A_626 = arith.constant 2 : i32
        %add3A_627 = arith.addi %add3A_601, %add3A_626 : i32
        %mul3A_628 = arith.constant 256 : i32
        %mul3A_629 = arith.muli %add3A_627, %mul3A_628 : i32
        %dma_start3A_630 = tpu.memref_slice %arg5[%mul3A_629] : memref<25600xi32, #tpu.memory_space<vmem>> -> memref<256xi32, #tpu.memory_space<vmem>>
        %dma_start3A_631 = arith.constant 0 : i32
        %dma_start3A_632 = arith.constant 0 : i32
        %dma_start3A_633 = tpu.memref_slice %arg3[%dma_start3A_631, %dma_start3A_632] : memref<250000x64xf32, #tpu.memory_space<hbm>> -> memref<250000x64xf32, #tpu.memory_space<hbm>>
        tpu.enqueue_indirect_dma source(%dma_start3A_633 : memref<250000x64xf32, #tpu.memory_space<hbm>>) target(%arg9 : memref<256x64xf32, #tpu.memory_space<vmem>>) offsets(%dma_start3A_630 : memref<256xi32, #tpu.memory_space<vmem>>) semaphore(%arg12 : memref<!tpu.dma_semaphore, #tpu.memory_space<semaphore_mem>>)
      } else {
      }
    }
    %gt3A_585 = arith.constant 0 : i32
    %gt3A_586 = arith.cmpi sgt, %shift_right_arithmetic3A_349, %gt3A_585 : i32
    %convert_element_type3A_587 = arith.extui %gt3A_586 : i1 to i32
    %cond3A_588 = arith.constant 0 : i32
    %cond3A_589 = arith.cmpi ne, %convert_element_type3A_587, %cond3A_588 : i32
    scf.if %cond3A_589 {
      %dma_wait3A_595 = arith.constant 0 : i32
      %dma_wait3A_596 = tpu.memref_slice %arg6[%dma_wait3A_595] : memref<25600xi32, #tpu.memory_space<vmem>> -> memref<256xi32, #tpu.memory_space<vmem>>
      %dma_wait3A_597 = arith.constant 0 : i32
      %dma_wait3A_598 = arith.constant 0 : i32
      %dma_wait3A_599 = tpu.memref_slice %arg4[%dma_wait3A_597, %dma_wait3A_598] : memref<819200x64xf32, #tpu.memory_space<hbm>> -> memref<819200x64xf32, #tpu.memory_space<hbm>>
      tpu.wait_indirect_dma semaphore(%arg13 : memref<!tpu.dma_semaphore, #tpu.memory_space<semaphore_mem>>) src(%arg8 : memref<256x64xf32, #tpu.memory_space<vmem>>) dst(%dma_wait3A_599 : memref<819200x64xf32, #tpu.memory_space<hbm>>)
    } else {
    }
    %gt3A_590 = arith.constant 1 : i32
    %gt3A_591 = arith.cmpi sgt, %shift_right_arithmetic3A_349, %gt3A_590 : i32
    %convert_element_type3A_592 = arith.extui %gt3A_591 : i1 to i32
    %cond3A_593 = arith.constant 0 : i32
    %cond3A_594 = arith.cmpi ne, %convert_element_type3A_592, %cond3A_593 : i32
    scf.if %cond3A_594 {
      %dma_wait3A_595 = arith.constant 0 : i32
      %dma_wait3A_596 = tpu.memref_slice %arg6[%dma_wait3A_595] : memref<25600xi32, #tpu.memory_space<vmem>> -> memref<256xi32, #tpu.memory_space<vmem>>
      %dma_wait3A_597 = arith.constant 0 : i32
      %dma_wait3A_598 = arith.constant 0 : i32
      %dma_wait3A_599 = tpu.memref_slice %arg4[%dma_wait3A_597, %dma_wait3A_598] : memref<819200x64xf32, #tpu.memory_space<hbm>> -> memref<819200x64xf32, #tpu.memory_space<hbm>>
      tpu.wait_indirect_dma semaphore(%arg14 : memref<!tpu.dma_semaphore, #tpu.memory_space<semaphore_mem>>) src(%arg9 : memref<256x64xf32, #tpu.memory_space<vmem>>) dst(%dma_wait3A_599 : memref<819200x64xf32, #tpu.memory_space<hbm>>)
    } else {
    }
    return
  }
}

</mosaic_0001>

<sc_bundles>
// kernel: kernel.3.cloned.1.call-start
scs
__scs_entry_jumppad:
0x0: {  	(pc) =	sbr.rel $0x88, $3  }
0x1: {  	(tag) =	ssettag $0x0;
	lr =	simm.s32 $0x1  }
0x2: {  	[smem:$0x3F9F] =	sst lr;
	_ =	strace $0xD0000000  }
0x3: {  	_ = 	snop  }
0x4: {  	_ = 	snop  }
0x5: {  	_ = 	snop  }
0x6: {  	_ = 	snop  }
0x7: {  	_ = 	snop  }
__scs_overlays_trampoline_lowered:
0x8: {  	[smem:$0x3FAE] =	sst s0  }
0x9: {  	[smem:$0x3FAF] =	sst s1  }
0xa: {  	[smem:$0x3FB0] =	sst s2  }
0xb: {  	[smem:$0x3FB1] =	sst s3  }
0xc: {  	[smem:$0x3FB2] =	sst s4  }
0xd: {  	[smem:$0x3FB3] =	sst s5  }
0xe: {  	[smem:$0x3FB4] =	sst s6  }
0xf: {  	[smem:$0x3FB5] =	sst s7  }
0x10: {  	[smem:$0x3FB6] =	sst s8  }
0x11: {  	[smem:$0x3FB7] =	sst s9;
	s0 =	simm.s32 @!p0 $0x0  }
0x12: {  	s1 =	sld [smem:$0x3F9D];
	s0 =	simm.s32 @p0 $0x1  }
0x13: {  	[smem:$0x3FB8] =	sst s0;
	s0 =	simm.s32 @!p1 $0x0  }
0x14: {  	s2 =	sld [smem:$0x3F9C];
	s0 =	simm.s32 @p1 $0x1  }
0x15: {  	[smem:$0x3FB9] =	sst s0;
	s0 =	simm.s32 @!p2 $0x0  }
0x16: {  	s3 =	sld [smem:$0x3FDB];
	s0 =	simm.s32 @p2 $0x1  }
0x17: {  	s4 =	simm.s32 $0x1BF5;
	[smem:$0x3FBB] =	sst s0  }
0x18: {  	s0 =	sld [smem:$0x3F9E];
	_ =	swait.ge [sflag:s4], $0x0  }
0x19: {  	s7 =	sld [smem:$0x3F9F]  }
0x1a: {  	s8 =	sadd.s32 $0xFFFFE003, lr  }
0x1b: {  	s9 =	sadd.s32 $0xFFFFFEF7, lr;
	s5 =	simm.s32 $0xFFFFFFFF;
	p2 =	slt.u32 s8, $0xFFFFF086  }
0x1c: {  	p1 =	slt.u32 s9, $0xF7A;
	s5 =	simm.s32 @!p2 $0x0  }
0x1d: {  	s5 =	simm.s32 @p1 $0x1;
	p0 =	seq.s32 s7, s2  }
0x1e: {  	s7 =	smul.u32 @!p0 $0xF7A, s2;
	p2 =	seq.s32 @!p0 s5, $0x0  }
0x1f: {  	s9 =	smul.u32 $0xF7A, s1;
	s8 =	simm.s32 @!p0 $0x1BF5;
	p2 =	por !p2, p0  }
0x20: {  	[sflag:s8] =	ssyncset.s32 @!p0 $0xFFFFF086;
	s6 =	sadd.s32 @!p0 s3, s7;
	s7 =	simm.s32 @!p0 $0x108  }
0x21: {  	s3 =	sadd.s32 s3, s9;
	s6 =	sadd.s32 @!p0 $0x88, s6;
	s7 =	simm.s32 @p2 $0x1082  }
0x22: {  	[simem:s7], [sflag:s8] =	dma.local @!p0 [hbm:s6], $0xF7A  }
0x23: {  	s9 =	sor.u32 $0xD0000000, s2;
	s6 =	simm.s32 $0x108;
	_ =	swait.ge @!p0 [sflag:s8], $0x0  }
0x24: {  	s3 =	sadd.s32 $0x88, s3;
	s6 =	simm.s32 @!p1 $0x1082;
	[sflag:s4] =	ssyncset.s32 $0xFFFFF086  }
0x25: {  	[simem:s6], [sflag:s4] =	dma.local [hbm:s3], $0xF7A  }
0x26: {  	[smem:$0x3F9F] =	sst s1;
	(tag) =	ssettag s2;
	_ =	strace s9  }
0x27: {  	s1 =	sld [smem:$0x3FAF]  }
0x28: {  	s2 =	sld [smem:$0x3FB0]  }
0x29: {  	s4 =	sld [smem:$0x3FB2]  }
0x2a: {  	p0 =	seq.s32 s5, $0x0;
	s5 =	sld [smem:$0x3FB3]  }
0x2b: {  	s6 =	sld [smem:$0x3FB4]  }
0x2c: {  	s7 =	sld [smem:$0x3FB5]  }
0x2d: {  	s3 =	simm.s32 $0x108;
	s8 =	sld [smem:$0x3FB6]  }
0x2e: {  	s3 =	simm.s32 @!p0 $0x1082;
	s9 =	sld [smem:$0x3FB7]  }
0x2f: {  	lr =	sadd.s32 s0, s3;
	s0 =	sld [smem:$0x3FAE]  }
0x30: {  	s3 =	sld [smem:$0x3FB1]  }
0x31: {  	[smem:$0x3FBA] =	sst s10  }
0x32: {  	s10 =	sld [smem:$0x3FB8];
	_ =	sdelay $0x3  }
0x33: {  	p0 =	seq.s32 s10, $0x1;
	s10 =	sld [smem:$0x3FBA];
	_ =	sdelay $0x3  }
0x34: {  	[smem:$0x3FBA] =	sst s10  }
0x35: {  	s10 =	sld [smem:$0x3FB9];
	_ =	sdelay $0x3  }
0x36: {  	p1 =	seq.s32 s10, $0x1;
	s10 =	sld [smem:$0x3FBA];
	_ =	sdelay $0x3  }
0x37: {  	[smem:$0x3FBA] =	sst s10  }
0x38: {  	s10 =	sld [smem:$0x3FBB]  }
0x39: {  	_ = 	snop;
	(pc) =	sbr.ind lr, $3  }
0x3a: {  	_ = 	snop  }
0x3b: {  	_ = 	snop  }
0x3c: {  	p2 =	seq.s32 s10, $0x1;
	s10 =	sld [smem:$0x3FBA]  }
0x3d: {  	_ =	shalt  }
0x3e: {  	_ =	shalt  }
0x3f: {  	_ =	shalt  }
0x40: {  	_ =	shalt  }
0x41: {  	_ =	shalt  }
0x42: {  	_ =	shalt  }
0x43: {  	_ =	shalt  }
0x44: {  	_ =	shalt  }
0x45: {  	_ =	shalt  }
0x46: {  	_ =	shalt  }
0x47: {  	_ =	shalt  }
0x48: {  	_ =	shalt  }
0x49: {  	_ =	shalt  }
0x4a: {  	_ =	shalt  }
0x4b: {  	_ =	shalt  }
0x4c: {  	_ =	shalt  }
0x4d: {  	_ =	shalt  }
0x4e: {  	_ =	shalt  }
0x4f: {  	_ =	shalt  }
0x50: {  	_ =	shalt  }
0x51: {  	_ =	shalt  }
0x52: {  	_ =	shalt  }
0x53: {  	_ =	shalt  }
0x54: {  	_ =	shalt  }
0x55: {  	_ =	shalt  }
0x56: {  	_ =	shalt  }
0x57: {  	_ =	shalt  }
0x58: {  	_ =	shalt  }
0x59: {  	_ =	shalt  }
0x5a: {  	_ =	shalt  }
0x5b: {  	_ =	shalt  }
0x5c: {  	_ =	shalt  }
0x5d: {  	_ =	shalt  }
0x5e: {  	_ =	shalt  }
0x5f: {  	_ =	shalt  }
0x60: {  	_ =	shalt  }
0x61: {  	_ =	shalt  }
0x62: {  	_ =	shalt  }
0x63: {  	_ =	shalt  }
0x64: {  	_ =	shalt  }
0x65: {  	_ =	shalt  }
0x66: {  	_ =	shalt  }
0x67: {  	_ =	shalt  }
0x68: {  	_ =	shalt  }
0x69: {  	_ =	shalt  }
0x6a: {  	_ =	shalt  }
0x6b: {  	_ =	shalt  }
0x6c: {  	_ =	shalt  }
0x6d: {  	_ =	shalt  }
0x6e: {  	_ =	shalt  }
0x6f: {  	_ =	shalt  }
0x70: {  	_ =	shalt  }
0x71: {  	_ =	shalt  }
0x72: {  	_ =	shalt  }
0x73: {  	_ =	shalt  }
0x74: {  	_ =	shalt  }
0x75: {  	_ =	shalt  }
0x76: {  	_ =	shalt  }
0x77: {  	_ =	shalt  }
0x78: {  	_ =	shalt  }
0x79: {  	_ =	shalt  }
0x7a: {  	_ =	shalt  }
0x7b: {  	_ =	shalt  }
0x7c: {  	_ =	shalt  }
0x7d: {  	_ =	shalt  }
0x7e: {  	_ =	shalt  }
0x7f: {  	_ =	shalt  }
0x80: {  	_ =	shalt  }
0x81: {  	_ =	shalt  }
0x82: {  	_ =	shalt  }
0x83: {  	_ =	shalt  }
0x84: {  	_ =	shalt  }
0x85: {  	_ =	shalt  }
0x86: {  	_ =	shalt  }
0x87: {  	_ =	shalt  }
.Lfunc_end0:
.L_simem_size_0:
called_computation.1_lowered:
.L_overlay_start_0:
0x88: {  	s2 =	sld [smem:$0x3FD9]  }
0x89: {  	s3 =	sld [smem:$0x3FFE];
	_ =	sdelay $0x1  }
0x8a: {  	s1 =	srdreg.scid  }
0x8b: {  	s0 =	sand.u32 $0x1, s1  }
0x8c: {  	s17 =	sshll.u32 s0, $0xA;
	s2 =	sadd.s32 s3, s2  }
0x8d: {  	s2 =	sadd.s32 s2, s17  }
0x8e: {  	[smem:$0x3FC6] =	sst s2  }
0x8f: {  	_ = 	snop  }
0x90: {  	s2 =	sld [smem:$0x3FD0];
	(tm) =	ssettm $0x1  }
0x91: {  	s18 =	sld [smem:$0x3FFB];
	_ =	sdelay $0x3  }
0x92: {  	_ =	strace s18  }
0x93: {  	s3 =	sld [smem:$0x3FFC];
	_ =	sdelay $0x3  }
0x94: {  	_ =	strace s3  }
0x95: {  	s3 =	sld [smem:$0x3FFD];
	_ =	sdelay $0x3  }
0x96: {  	_ =	strace s3  }
0x97: {  	_ =	strace $0x8FFFFFFF  }
0x98: {  	s19 =	sld [smem:$0x3FDB];
	_ =	sdelay $0x1  }
0x99: {  	s4 =	simm.s32 $_scs_section_size  }
0x9a: {  	s5 =	simm.s32 $_size__tile_overlayer_lowered;
	s6 =	simm.s32 $_tile_overlayer_lowered  }
0x9b: {  	s22 =	simm.s32 $0x1BFF;
	s21 =	sshll.u32 s6, $0x1;
	s3 =	sadd.s32 s4, s19  }
0x9c: {  	s7 =	simm.s32 $0x0;
	s20 =	sshll.u32 s5, $0x1;
	s5 =	sadd.s32 s21, s3  }
0x9d: {  	[timem:s7], [sflag:s22] =	dma.local [hbm:s5], s20  }
0x9e: {  	_ =	swait.ge [sflag:s22], s20  }
0x9f: {  	s4 =	ssub.s32 $0x0, s20;
	[sflag:s22] =	ssyncset.done $0x0  }
0xa0: {  	[sflag:s22] =	ssyncadd.s32 s4;
	_ =	sdelay $0x1  }
0xa1: {  	s23 =	simm.s32 $0x1B8B  }
0xa2: {  	_ =	swait.ge [sflag:s23], $0x1  }
0xa3: {  	[sflag:s23] =	ssyncset.done $0x0  }
0xa4: {  	s25 =	simm.s32 $0x1B8E;
	s24 =	sld [smem:$0x3FFE];
	[sflag:s23] =	ssyncadd.s32 $0xFFFFFFFF  }
0xa5: {  	s26 =	simm.s32 $execute0_lowered;
	[smem:$0x3FD2] =	sst s25  }
0xa6: {  	s5 =	sshll.u32 s26, $0x1;
	_ =	strace $0x80000046;
	[dreg:$0x1] =	wrdreg $0xFFFFFFFF  }
0xa7: {  	s28 =	simm.s32 $_size_execute0_lowered;
	s3 =	sadd.s32 s3, s5;
	[dreg:$0x0] =	wrdreg $0x0  }
0xa8: {  	s5 =	sshll.u32 s28, $0x1;
	[dreg:$0x2] =	wrdreg s3  }
0xa9: {  	[dreg:$0x3] =	wrdreg s5  }
0xaa: {  	[dreg:$0x4] =	wrdreg $0xC0  }
0xab: {  	_ =	task [dreg:s7], $0x5FFFF  }
0xac: {  	[dreg:$0x1] =	wrdreg $0xFFFFFFFF  }
0xad: {  	[dreg:$0x0] =	wrdreg $0x60  }
0xae: {  	[dreg:$0x2] =	wrdreg s24  }
0xaf: {  	[dreg:$0x3] =	wrdreg s2  }
0xb0: {  	[dreg:$0x4] =	wrdreg $0x9  }
0xb1: {  	_ =	task.clear_ibuf [dreg:s7], $0x5FFFF;
	_ =	strace $0x90000046  }
0xb2: {  	s29 =	simm.s32 $0x9;
	_ =	strace $0x80000048  }
0xb3: {  	_ =	swait.ge [sflag:s29], $0x1  }
0xb4: {  	[sflag:s29] =	ssyncadd.s32 $0xFFFFFFFF  }
0xb5: {  	_ =	strace $0x90000048  }
0xb6: {  	_ =	sfence  }
0xb7: {  	s30 =	sld [smem:$0x0];
	_ =	sdelay $0x2  }
0xb8: {  	s31 =	sshll.u32 s1, $0xD;
	s1 =	sshrl.u32 s1, $0x2  }
0xb9: {  	s3 =	sand.u32 $0x4000, s31;
	s1 =	sadd.s32 s1, s30  }
0xba: {  	s0 =	sor.u32 s3, s0;
	s1 =	sshll.u32 s1, $0x11  }
0xbb: {  	s0 =	sor.u32 s1, s0  }
0xbc: {  	s0 =	sadd.s32 $0x8F2B, s0  }
0xbd: {  	[sflag:s0] =	ssyncadd.remote.s32 $0x1  }
0xbe: {  	_ =	sfence.sel $0xFFFF  }
0xbf: {  	[dreg:$0x0] =	wrdreg $0xFFFFFFFF;
	(pc) =	sbr.abs _section_cstart, $3  }
0xc0: {  	[dreg:$0x1] =	wrdreg $0xFFFFFFFF  }
0xc1: {  	_ =	task.clear_ibuf [dreg:s7], $0x2FFFF;
	_ =	strace $0x9FFFFFFF  }
0xc2: {  	(tm) =	ssettm $0x7FFFFFFF  }
0xc3: {  	_ =	shalt  }
tec
execute0_lowered:
.L_overlay_start_1:
0x0: {  	(tag) =	ssettag $0x1  }
0x1: {  	s0 =	srdreg.scid;
	s8 =	stileid.u32  }
0x2: {  	s0 =	sand.u32 $0x1, s0;
	s3 =	sshll.u32 s8, $0x1  }
0x3: {  	s3 =	sor.u32 s0, s3  }
0x4: {  	s4 =	smul.u32 $0x6400, s3  }
0x5: {  	s1 =	rddreg [dreg:$0x0];
	s25 =	smul.u32 $0x190000, s3  }
0x6: {  	s2 =	rddreg [dreg:$0x1];
	s5 =	simm.s32 $0x0;
	s4 =	sshrl.u32 s4, $0x3  }
0x7: {  	[smem:$0x7FF] =	sst s5;
	s5 =	sshrl.u32 s25, $0x3;
	s6 =	sadd.s32 s4, s1  }
0x8: {  	s5 =	sadd.s32 s2, s5;
	s6 =	sadd.s32 $0x800, s6  }
0x9: {  	_ =	strace $0x80000047;
	s9 =	sadd.s32 $0x2000, s5;
	[dreg:$0x3] =	wrdreg s6  }
0xa: {  	s10 =	sadd.s32 $0x3000, s5;
	[dreg:$0x4] =	wrdreg s9  }
0xb: {  	s11 =	sadd.s32 $0x4000, s5;
	[dreg:$0x5] =	wrdreg s10  }
0xc: {  	s12 =	sadd.s32 $0x5000, s5;
	[dreg:$0x6] =	wrdreg s11  }
0xd: {  	s13 =	sadd.s32 $0x6000, s5;
	[dreg:$0x7] =	wrdreg s12  }
0xe: {  	s14 =	sadd.s32 $0x7000, s5;
	[dreg:$0x8] =	wrdreg s13  }
0xf: {  	s15 =	sadd.s32 $0x8000, s5;
	[dreg:$0x9] =	wrdreg s14  }
0x10: {  	s16 =	sadd.s32 $0x9000, s5;
	[dreg:$0xa] =	wrdreg s15  }
0x11: {  	s17 =	sadd.s32 $0xA000, s5;
	[dreg:$0xb] =	wrdreg s16  }
0x12: {  	s18 =	sadd.s32 $0xB000, s5;
	[dreg:$0xc] =	wrdreg s17  }
0x13: {  	s20 =	sadd.s32 $0xC000, s5;
	[dreg:$0xd] =	wrdreg s18  }
0x14: {  	s21 =	sadd.s32 $0xD000, s5;
	[dreg:$0xe] =	wrdreg s20  }
0x15: {  	s26 =	ssub.s32 $0x2, s0;
	s22 =	sadd.s32 $0xE000, s5;
	[dreg:$0xf] =	wrdreg s21  }
0x16: {  	s7 =	sshrl.u32 s26, $0x1;
	s23 =	sadd.s32 $0xF000, s5;
	[dreg:$0x10] =	wrdreg s22  }
0x17: {  	s3 =	smul.u32 $0x32000, s3;
	s24 =	sadd.s32 $0x10000, s5;
	[dreg:$0x11] =	wrdreg s23  }
0x18: {  	s4 =	sadd.s32 $0x19800, s1;
	s25 =	sadd.s32 $0x11000, s5;
	[dreg:$0x12] =	wrdreg s24  }
0x19: {  	s1 =	ssub.s32 s26, s7;
	s26 =	sadd.s32 $0x12000, s5;
	[dreg:$0x13] =	wrdreg s25  }
0x1a: {  	s7 =	sadd.s32 s2, s3;
	s3 =	sadd.s32 $0x13000, s5;
	[dreg:$0x14] =	wrdreg s26  }
0x1b: {  	s19 =	smul.u32 $0xC800, s8;
	s8 =	sadd.s32 $0x15000, s5;
	[dreg:$0x15] =	wrdreg s3  }
0x1c: {  	s6 =	sadd.s32 $0x14000, s5;
	[dreg:$0x17] =	wrdreg s8  }
0x1d: {  	s9 =	sadd.s32 $0x16000, s5;
	[dreg:$0x16] =	wrdreg s6  }
0x1e: {  	s10 =	sadd.s32 $0x17000, s5;
	[dreg:$0x18] =	wrdreg s9  }
0x1f: {  	s11 =	sadd.s32 $0x18000, s5;
	[dreg:$0x19] =	wrdreg s10  }
0x20: {  	s12 =	sadd.s32 $0x19000, s5;
	[dreg:$0x1a] =	wrdreg s11  }
0x21: {  	s13 =	sadd.s32 $0x1A000, s5;
	[dreg:$0x1b] =	wrdreg s12  }
0x22: {  	s14 =	sadd.s32 $0x1B000, s5;
	[dreg:$0x1c] =	wrdreg s13  }
0x23: {  	s15 =	sadd.s32 $0x1C000, s5;
	[dreg:$0x1d] =	wrdreg s14  }
0x24: {  	s16 =	sadd.s32 $0x1D000, s5;
	[dreg:$0x1e] =	wrdreg s15  }
0x25: {  	s0 =	smul.u32 $0x6400, s0;
	s17 =	sadd.s32 $0x1E000, s5;
	[dreg:$0x1f] =	wrdreg s16  }
0x26: {  	s31 =	simm.s32 $0x6;
	s18 =	sadd.s32 $0x1F000, s5;
	[smem:$0x7F5] =	sst s17  }
0x27: {  	s22 =	sadd.s32 s0, s19;
	s19 =	sadd.s32 $0x20000, s5;
	[smem:$0x7F6] =	sst s18  }
0x28: {  	s28 =	sadd.s32 $0x31000, s5;
	s20 =	sadd.s32 $0x21000, s5;
	[smem:$0x7F7] =	sst s19  }
0x29: {  	s29 =	smax.u32 s1, $0x1;
	s21 =	sadd.s32 $0x22000, s5;
	[smem:$0x7F8] =	sst s20  }
0x2a: {  	s30 =	sadd.s32 $0x1000, s7;
	s23 =	sadd.s32 $0x23000, s5;
	[smem:$0x7F9] =	sst s21  }
0x2b: {  	s1 =	simm.s32 $0xC800;
	s24 =	sadd.s32 $0x24000, s5;
	[smem:$0x7FA] =	sst s23  }
0x2c: {  	s25 =	sadd.s32 $0x25000, s5;
	s26 =	sadd.s32 $0x26000, s5;
	[smem:$0x7FB] =	sst s24  }
.Ltmp0:
0x2d: {  	s0 =	simm.s32 $0x0;
	[smem:$0x7FC] =	sst s25;
	(pc) =	sbr.rel .LBB2_1-.Ltmp0, $4  }
0x2e: {  	[smem:$0x7FD] =	sst s26;
	s17 =	sadd.s32 $0x27000, s5;
	s18 =	sadd.s32 $0x28000, s5  }
0x2f: {  	s19 =	sadd.s32 $0x29000, s5;
	s20 =	sadd.s32 $0x2A000, s5;
	s21 =	sadd.s32 $0x2B000, s5  }
0x30: {  	v0 =	vimm.f32 $0.0e+00;
	s23 =	sadd.s32 $0x2C000, s5;
	s6 =	sadd.s32 $0x2D000, s5;
	s24 =	sadd.s32 $0x2E000, s5  }
0x31: {  	v1 =	vlaneseq.u32;
	v2 =	vimm.s32 $0x0;
	vm0 =	vmmov $0x1;
	s25 =	sadd.s32 $0x2F000, s5;
	s26 =	sadd.s32 $0x30000, s5;
	s16 =	smov.u32 s7  }
.LBB2_10:
0x32: {  	_ = 	snop  }
.LBB2_15:
0x33: {  	p3 =	por p4, !p3  }
0x34: {  	_ =	swait.ge @!p3 [sflag:s11], $0x4000  }
0x35: {  	p4 =	sge.s32 s13, s3;
	s7 =	simm.s32 @!p3 $0x100;
	[sflag:s11] =	ssyncset.done @!p3 $0x0  }
0x36: {  	s13 =	simm.s32 @!p4 $0x2;
	s9 =	sadd.s32 @!p3 $0x100, s9;
	[sflag:s11] =	ssyncadd.s32 @!p3 $0xFFFFC000  }
0x37: {  	[tilespmem:s12], [sflag:$0x3] =	stream.indirect.gather @!p3 [hbm4b:s4+s7], $0x40, s9, s7, $0xb8;
	[tilespmem:$0x1C800] =	vst v63  }
0x38: {  	_ =	swait.ge @!p4 [sflag:s13], $0x4000  }
0x39: {  	s7 =	simm.s32 @!p4 $0x14800;
	p3 =	sge.s32 s5, s3;
	[sflag:s13] =	ssyncset.done @!p4 $0x0  }
0x3a: {  	s9 =	simm.s32 @!p4 $0x100;
	s11 =	simm.s32 @!p3 $0x3;
	[sflag:s13] =	ssyncadd.s32 @!p4 $0xFFFFC000  }
0x3b: {  	[hbm4b:s2+s9] =	stream.indirect.scatter @!p4 [tilespmem:s7], [sflag:$0x4], $0x40, s8, s9, $0xb8;
	[tilespmem:$0x1C800] =	vst v63  }
0x3c: {  	s14 =	sadd.s32 $0x1, s5;
	s7 =	simm.s32 @!p3 $0x18800;
	_ =	swait.ge @!p3 [sflag:s11], $0x4000  }
0x3d: {  	s8 =	sadd.s32 @!p3 $0x100, s8;
	p4 =	sge.s32 s14, s3;
	[sflag:s11] =	ssyncset.done @!p3 $0x0  }
0x3e: {  	s9 =	simm.s32 @!p3 $0x100;
	[sflag:s11] =	ssyncadd.s32 @!p3 $0xFFFFC000;
	s11 =	simm.s32 @!p4 $0x4  }
0x3f: {  	[hbm4b:s2+s9] =	stream.indirect.scatter @!p3 [tilespmem:s7], [sflag:$0x5], $0x40, s8, s9, $0xb8;
	[tilespmem:$0x1C800] =	vst v63  }
0x40: {  	s15 =	sadd.s32 $0x2, s5;
	_ =	swait.ge @!p4 [sflag:s11], $0x4000  }
0x41: {  	s7 =	simm.s32 @!p4 $0x14800;
	p3 =	sge.s32 s15, s3;
	[sflag:s11] =	ssyncset.done @!p4 $0x0  }
0x42: {  	s8 =	simm.s32 @!p4 $0x100;
	s3 =	simm.s32 @!p3 $0x5;
	[sflag:s11] =	ssyncadd.s32 @!p4 $0xFFFFC000  }
0x43: {  	[tilespmem:s7], [sflag:$0x2] =	stream.indirect.gather @!p4 [hbm4b:s4+s8], $0x40, s10, s8, $0xb8;
	[tilespmem:$0x1C800] =	vst v63  }
0x44: {  	_ =	swait.ge @!p3 [sflag:s3], $0x4000  }
0x45: {  	s5 =	simm.s32 @!p3 $0x18800;
	[sflag:s3] =	ssyncset.done @!p3 $0x0  }
0x46: {  	s7 =	simm.s32 @!p3 $0x100;
	s8 =	sadd.s32 @!p3 $0x100, s10;
	[sflag:s3] =	ssyncadd.s32 @!p3 $0xFFFFC000  }
0x47: {  	[tilespmem:s5], [sflag:$0x3] =	stream.indirect.gather @!p3 [hbm4b:s4+s7], $0x40, s8, s7, $0xb8;
	[tilespmem:$0x1C800] =	vst v63  }
.LBB2_16:
0x48: {  	p3 =	por @!p0 $0x0, $0x0;
	p2 =	por @!p2 $0x1, $0x1;
	s3 =	simm.s32 @!p0 $0x4  }
0x49: {  	p1 =	por !p1, p0;
	s0 =	sadd.s32 $0x1, s0;
	_ =	swait.ge @!p0 [sflag:s3], $0x4000  }
0x4a: {  	p2 =	por @!p1 p3, p3;
	p1 =	por $0x0, $0x0;
	[sflag:s3] =	ssyncset.done @!p0 $0x0  }
0x4b: {  	p1 =	por @!p0 p2, p2;
	[sflag:s3] =	ssyncadd.s32 @!p0 $0xFFFFC000;
	p0 =	sne.s32 s0, s29  }
.Ltmp1:
0x4c: {  	_ = 	snop;
	(pc) =	sbr.rel @!p0 .LBB2_17-.Ltmp1, $4  }
0x4d: {  	s3 =	simm.s32 @p1 $0x5  }
0x4e: {  	_ =	swait.ge @p1 [sflag:s3], $0x4000  }
0x4f: {  	[sflag:s3] =	ssyncset.done @p1 $0x0  }
0x50: {  	[sflag:s3] =	ssyncadd.s32 @p1 $0xFFFFC000  }
.LBB2_1:
0x51: {  	s3 =	simm.s32 $0x0;
	s5 =	rddreg [dreg:$0x3]  }
0x52: {  	[tilespmem:s3], [sflag:$0x6] =	stream.linear.gather [hbm4b:s5+s3], $0x6400, $0x38;
	[tilespmem:$0x1C800] =	vst v63  }
0x53: {  	_ =	swait.ge [sflag:s31], $0x6400  }
0x54: {  	[sflag:s31] =	ssyncset.done $0x0  }
0x55: {  	s5 =	simm.s32 $0x100;
	s3 =	simm.s32 $0x0;
	[sflag:s31] =	ssyncadd.s32 $0xFFFF9C00  }
.LBB2_2:
0x56: {  	p0 =	sne.s32 s5, $0x1FF00;
	[tilespmem:s3+$0xC830] =	vst v0;
	s7 =	smov.u32 s5;
	s5 =	sadd.s32 $0x100, s5  }
.Ltmp2:
0x57: {  	[tilespmem:s3+$0xC820] =	vst v0;
	(pc) =	sbr.rel @p0 .LBB2_2-.Ltmp2, $3  }
0x58: {  	[tilespmem:s3+$0xC800] =	vst v0  }
0x59: {  	[tilespmem:s3+$0xC810] =	vst v0;
	_ =	sdelay $0x1  }
0x5a: {  	s3 =	sshra.s32 s7, $0x2  }
0x5b: {  	[tilespmem:s3+$0xC830] =	vst v0  }
0x5c: {  	[tilespmem:s3+$0xC820] =	vst v0  }
0x5d: {  	[tilespmem:s3+$0xC800] =	vst v0  }
0x5e: {  	[tilespmem:s3+$0xC810] =	vst v0;
	s3 =	simm.s32 $0x0  }
0x5f: {  	[hbm4b:s16+s3] =	stream.linear.scatter [tilespmem:s1], [sflag:$0x1], $0x8000, $0x38;
	[tilespmem:$0x1C800] =	vst v63  }
0x60: {  	s5 =	rddreg [dreg:$0x4]  }
0x61: {  	[hbm4b:s30+s3] =	stream.linear.scatter [tilespmem:s1], [sflag:$0x1], $0x8000, $0x38;
	[tilespmem:$0x1C800] =	vst v63  }
0x62: {  	s15 =	rddreg [dreg:$0x5]  }
0x63: {  	[hbm4b:s5+s3] =	stream.linear.scatter [tilespmem:s1], [sflag:$0x1], $0x8000, $0x38;
	[tilespmem:$0x1C800] =	vst v63  }
0x64: {  	s7 =	rddreg [dreg:$0x6]  }
0x65: {  	[hbm4b:s15+s3] =	stream.linear.scatter [tilespmem:s1], [sflag:$0x1], $0x8000, $0x38;
	[tilespmem:$0x1C800] =	vst v63  }
0x66: {  	s8 =	rddreg [dreg:$0x7]  }
0x67: {  	[hbm4b:s7+s3] =	stream.linear.scatter [tilespmem:s1], [sflag:$0x1], $0x8000, $0x38;
	[tilespmem:$0x1C800] =	vst v63  }
0x68: {  	s9 =	rddreg [dreg:$0x8]  }
0x69: {  	[hbm4b:s8+s3] =	stream.linear.scatter [tilespmem:s1], [sflag:$0x1], $0x8000, $0x38;
	[tilespmem:$0x1C800] =	vst v63  }
0x6a: {  	s10 =	rddreg [dreg:$0x9]  }
0x6b: {  	[hbm4b:s9+s3] =	stream.linear.scatter [tilespmem:s1], [sflag:$0x1], $0x8000, $0x38;
	[tilespmem:$0x1C800] =	vst v63  }
0x6c: {  	s11 =	rddreg [dreg:$0xa]  }
0x6d: {  	[hbm4b:s10+s3] =	stream.linear.scatter [tilespmem:s1], [sflag:$0x1], $0x8000, $0x38;
	[tilespmem:$0x1C800] =	vst v63  }
0x6e: {  	s12 =	rddreg [dreg:$0xb]  }
0x6f: {  	[hbm4b:s11+s3] =	stream.linear.scatter [tilespmem:s1], [sflag:$0x1], $0x8000, $0x38;
	[tilespmem:$0x1C800] =	vst v63  }
0x70: {  	s13 =	rddreg [dreg:$0xc]  }
0x71: {  	[hbm4b:s12+s3] =	stream.linear.scatter [tilespmem:s1], [sflag:$0x1], $0x8000, $0x38;
	[tilespmem:$0x1C800] =	vst v63  }
0x72: {  	s14 =	rddreg [dreg:$0xd]  }
0x73: {  	[hbm4b:s13+s3] =	stream.linear.scatter [tilespmem:s1], [sflag:$0x1], $0x8000, $0x38;
	[tilespmem:$0x1C800] =	vst v63  }
0x74: {  	s15 =	rddreg [dreg:$0xe]  }
0x75: {  	[hbm4b:s14+s3] =	stream.linear.scatter [tilespmem:s1], [sflag:$0x1], $0x8000, $0x38;
	[tilespmem:$0x1C800] =	vst v63  }
0x76: {  	s7 =	rddreg [dreg:$0xf]  }
0x77: {  	[hbm4b:s15+s3] =	stream.linear.scatter [tilespmem:s1], [sflag:$0x1], $0x8000, $0x38;
	[tilespmem:$0x1C800] =	vst v63  }
0x78: {  	s8 =	rddreg [dreg:$0x10]  }
0x79: {  	[hbm4b:s7+s3] =	stream.linear.scatter [tilespmem:s1], [sflag:$0x1], $0x8000, $0x38;
	[tilespmem:$0x1C800] =	vst v63  }
0x7a: {  	s9 =	rddreg [dreg:$0x11]  }
0x7b: {  	[hbm4b:s8+s3] =	stream.linear.scatter [tilespmem:s1], [sflag:$0x1], $0x8000, $0x38;
	[tilespmem:$0x1C800] =	vst v63  }
0x7c: {  	s10 =	rddreg [dreg:$0x12]  }
0x7d: {  	[hbm4b:s9+s3] =	stream.linear.scatter [tilespmem:s1], [sflag:$0x1], $0x8000, $0x38;
	[tilespmem:$0x1C800] =	vst v63  }
0x7e: {  	s11 =	rddreg [dreg:$0x13]  }
0x7f: {  	[hbm4b:s10+s3] =	stream.linear.scatter [tilespmem:s1], [sflag:$0x1], $0x8000, $0x38;
	[tilespmem:$0x1C800] =	vst v63  }
0x80: {  	s12 =	rddreg [dreg:$0x14]  }
0x81: {  	[hbm4b:s11+s3] =	stream.linear.scatter [tilespmem:s1], [sflag:$0x1], $0x8000, $0x38;
	[tilespmem:$0x1C800] =	vst v63  }
0x82: {  	s13 =	rddreg [dreg:$0x15]  }
0x83: {  	[hbm4b:s12+s3] =	stream.linear.scatter [tilespmem:s1], [sflag:$0x1], $0x8000, $0x38;
	[tilespmem:$0x1C800] =	vst v63  }
0x84: {  	s14 =	rddreg [dreg:$0x16]  }
0x85: {  	[hbm4b:s13+s3] =	stream.linear.scatter [tilespmem:s1], [sflag:$0x1], $0x8000, $0x38;
	[tilespmem:$0x1C800] =	vst v63  }
0x86: {  	s15 =	rddreg [dreg:$0x17]  }
0x87: {  	[hbm4b:s14+s3] =	stream.linear.scatter [tilespmem:s1], [sflag:$0x1], $0x8000, $0x38;
	[tilespmem:$0x1C800] =	vst v63  }
0x88: {  	s7 =	rddreg [dreg:$0x18]  }
0x89: {  	[hbm4b:s15+s3] =	stream.linear.scatter [tilespmem:s1], [sflag:$0x1], $0x8000, $0x38;
	[tilespmem:$0x1C800] =	vst v63  }
0x8a: {  	s8 =	rddreg [dreg:$0x19]  }
0x8b: {  	[hbm4b:s7+s3] =	stream.linear.scatter [tilespmem:s1], [sflag:$0x1], $0x8000, $0x38;
	[tilespmem:$0x1C800] =	vst v63  }
0x8c: {  	s9 =	rddreg [dreg:$0x1a]  }
0x8d: {  	[hbm4b:s8+s3] =	stream.linear.scatter [tilespmem:s1], [sflag:$0x1], $0x8000, $0x38;
	[tilespmem:$0x1C800] =	vst v63  }
0x8e: {  	s10 =	rddreg [dreg:$0x1b]  }
0x8f: {  	[hbm4b:s9+s3] =	stream.linear.scatter [tilespmem:s1], [sflag:$0x1], $0x8000, $0x38;
	[tilespmem:$0x1C800] =	vst v63  }
0x90: {  	s11 =	rddreg [dreg:$0x1c]  }
0x91: {  	[hbm4b:s10+s3] =	stream.linear.scatter [tilespmem:s1], [sflag:$0x1], $0x8000, $0x38;
	[tilespmem:$0x1C800] =	vst v63  }
0x92: {  	s12 =	rddreg [dreg:$0x1d]  }
0x93: {  	[hbm4b:s11+s3] =	stream.linear.scatter [tilespmem:s1], [sflag:$0x1], $0x8000, $0x38;
	[tilespmem:$0x1C800] =	vst v63  }
0x94: {  	s13 =	rddreg [dreg:$0x1e]  }
0x95: {  	[hbm4b:s12+s3] =	stream.linear.scatter [tilespmem:s1], [sflag:$0x1], $0x8000, $0x38;
	[tilespmem:$0x1C800] =	vst v63  }
0x96: {  	s14 =	rddreg [dreg:$0x1f]  }
0x97: {  	[hbm4b:s13+s3] =	stream.linear.scatter [tilespmem:s1], [sflag:$0x1], $0x8000, $0x38;
	[tilespmem:$0x1C800] =	vst v63  }
0x98: {  	s15 =	sld [smem:$0x7F5]  }
0x99: {  	[hbm4b:s14+s3] =	stream.linear.scatter [tilespmem:s1], [sflag:$0x1], $0x8000, $0x38;
	[tilespmem:$0x1C800] =	vst v63  }
0x9a: {  	s7 =	sld [smem:$0x7F6]  }
0x9b: {  	[hbm4b:s15+s3] =	stream.linear.scatter [tilespmem:s1], [sflag:$0x1], $0x8000, $0x38;
	[tilespmem:$0x1C800] =	vst v63  }
0x9c: {  	s8 =	sld [smem:$0x7F7]  }
0x9d: {  	[hbm4b:s7+s3] =	stream.linear.scatter [tilespmem:s1], [sflag:$0x1], $0x8000, $0x38;
	[tilespmem:$0x1C800] =	vst v63  }
0x9e: {  	s9 =	sld [smem:$0x7F8]  }
0x9f: {  	[hbm4b:s8+s3] =	stream.linear.scatter [tilespmem:s1], [sflag:$0x1], $0x8000, $0x38;
	[tilespmem:$0x1C800] =	vst v63  }
0xa0: {  	s10 =	sld [smem:$0x7F9]  }
0xa1: {  	[hbm4b:s9+s3] =	stream.linear.scatter [tilespmem:s1], [sflag:$0x1], $0x8000, $0x38;
	[tilespmem:$0x1C800] =	vst v63  }
0xa2: {  	s11 =	sld [smem:$0x7FA]  }
0xa3: {  	[hbm4b:s10+s3] =	stream.linear.scatter [tilespmem:s1], [sflag:$0x1], $0x8000, $0x38;
	[tilespmem:$0x1C800] =	vst v63  }
0xa4: {  	s12 =	sld [smem:$0x7FB]  }
0xa5: {  	[hbm4b:s11+s3] =	stream.linear.scatter [tilespmem:s1], [sflag:$0x1], $0x8000, $0x38;
	[tilespmem:$0x1C800] =	vst v63  }
0xa6: {  	s13 =	sld [smem:$0x7FC]  }
0xa7: {  	[hbm4b:s12+s3] =	stream.linear.scatter [tilespmem:s1], [sflag:$0x1], $0x8000, $0x38;
	[tilespmem:$0x1C800] =	vst v63  }
0xa8: {  	s14 =	sld [smem:$0x7FD]  }
0xa9: {  	[hbm4b:s13+s3] =	stream.linear.scatter [tilespmem:s1], [sflag:$0x1], $0x8000, $0x38;
	[tilespmem:$0x1C800] =	vst v63  }
0xaa: {  	_ = 	snop  }
0xab: {  	[hbm4b:s14+s3] =	stream.linear.scatter [tilespmem:s1], [sflag:$0x1], $0x8000, $0x38;
	[tilespmem:$0x1C800] =	vst v63  }
0xac: {  	_ = 	snop  }
0xad: {  	[hbm4b:s17+s3] =	stream.linear.scatter [tilespmem:s1], [sflag:$0x1], $0x8000, $0x38;
	[tilespmem:$0x1C800] =	vst v63  }
0xae: {  	_ = 	snop  }
0xaf: {  	[hbm4b:s18+s3] =	stream.linear.scatter [tilespmem:s1], [sflag:$0x1], $0x8000, $0x38;
	[tilespmem:$0x1C800] =	vst v63  }
0xb0: {  	_ = 	snop  }
0xb1: {  	[hbm4b:s19+s3] =	stream.linear.scatter [tilespmem:s1], [sflag:$0x1], $0x8000, $0x38;
	[tilespmem:$0x1C800] =	vst v63  }
0xb2: {  	_ = 	snop  }
0xb3: {  	[hbm4b:s20+s3] =	stream.linear.scatter [tilespmem:s1], [sflag:$0x1], $0x8000, $0x38;
	[tilespmem:$0x1C800] =	vst v63  }
0xb4: {  	_ = 	snop  }
0xb5: {  	[hbm4b:s21+s3] =	stream.linear.scatter [tilespmem:s1], [sflag:$0x1], $0x8000, $0x38;
	[tilespmem:$0x1C800] =	vst v63  }
0xb6: {  	_ = 	snop  }
0xb7: {  	[hbm4b:s23+s3] =	stream.linear.scatter [tilespmem:s1], [sflag:$0x1], $0x8000, $0x38;
	[tilespmem:$0x1C800] =	vst v63  }
0xb8: {  	_ = 	snop  }
0xb9: {  	[hbm4b:s6+s3] =	stream.linear.scatter [tilespmem:s1], [sflag:$0x1], $0x8000, $0x38;
	[tilespmem:$0x1C800] =	vst v63  }
0xba: {  	_ = 	snop  }
0xbb: {  	[hbm4b:s24+s3] =	stream.linear.scatter [tilespmem:s1], [sflag:$0x1], $0x8000, $0x38;
	[tilespmem:$0x1C800] =	vst v63  }
0xbc: {  	_ = 	snop  }
0xbd: {  	[hbm4b:s25+s3] =	stream.linear.scatter [tilespmem:s1], [sflag:$0x1], $0x8000, $0x38;
	[tilespmem:$0x1C800] =	vst v63  }
0xbe: {  	_ = 	snop  }
0xbf: {  	[hbm4b:s26+s3] =	stream.linear.scatter [tilespmem:s1], [sflag:$0x1], $0x8000, $0x38;
	[tilespmem:$0x1C800] =	vst v63  }
0xc0: {  	s15 =	simm.s32 $0x0  }
0xc1: {  	[hbm4b:s28+s3] =	stream.linear.scatter [tilespmem:s1], [sflag:$0x1], $0x8000, $0x38;
	[tilespmem:$0x1C800] =	vst v63  }
0xc2: {  	v3 =	vld [tilespmem:s15+$0x0];
	_ =	sdelay $0x4  }
0xc3: {  	v3 =	vadd.s32 $0xFFFC2F70, v3  }
0xc4: {  	vm1 =	vlt.u32 v3, $0x3D090  }
0xc5: {  	v4 =	vsel vm1, $0x1, v2  }
0xc6: {  	(xrf0) =	vadd.scan.msk.s32 $0xffff, v4;
	_ =	sdelay $0x5  }
0xc7: {  	v4, _, _ =	vpop (xrf0)  }
0xc8: {  	[tilespmem:s3+$0x0] =	vst.msk vm1, v3;
	v3 =	vor.u32 s22, v1;
	(v2sf) =	vpush v4, $0xF  }
0xc9: {  	s5 =	smov.u32 s22;
	s7 =	simm.s32 $0x80;
	s8 =	simm.s32 $0x10;
	[tilespmem:s3+$0x6400] =	vst.msk vm1, v3  }
.LBB2_4:
0xca: {  	p0 =	sne.s32 s7, $0x18FC0;
	v3 =	vld [tilespmem:s8+$0x0];
	_ =	sdelay $0x4  }
0xcb: {  	v3 =	vadd.s32 $0xFFFC2F70, v3  }
0xcc: {  	vm1 =	vlt.u32 v3, $0x3D090  }
0xcd: {  	v4 =	vsel vm1, $0x1, v2  }
0xce: {  	(xrf0) =	vadd.scan.msk.s32 $0xffff, v4;
	_ =	sdelay $0x3  }
.Ltmp3:
0xcf: {  	(pc) =	sbr.rel @p0 .LBB2_4-.Ltmp3, $4  }
0xd0: {  	s8 =	spop (v2sf)  }
0xd1: {  	s5 =	sadd.s32 $0x10, s5;
	v4, _, _ =	vpop (xrf0);
	s3 =	sadd.s32 s3, s8  }
0xd2: {  	[tilespmem:s3+$0x0] =	vst.msk vm1, v3;
	v3 =	vor.u32 s5, v1;
	(v2sf) =	vpush v4, $0xF  }
0xd3: {  	s8 =	sshra.s32 s7, $0x2;
	s7 =	sadd.s32 $0x40, s7;
	[tilespmem:s3+$0x6400] =	vst.msk vm1, v3  }
0xd4: {  	_ =	sdelay $0x7  }
0xd5: {  	v3 =	vld [tilespmem:s8+$0x0];
	_ =	sdelay $0x4  }
0xd6: {  	v3 =	vadd.s32 $0xFFFC2F70, v3;
	s7 =	spop (v2sf)  }
0xd7: {  	s5 =	sadd.s32 $0x10, s5;
	vm1 =	vlt.u32 v3, $0x3D090;
	s3 =	sadd.s32 s3, s7  }
0xd8: {  	[tilespmem:s3+$0x0] =	vst.msk vm1, v3;
	v3 =	vor.u32 s5, v1  }
0xd9: {  	[tilespmem:s3+$0x6400] =	vst.msk vm1, v3  }
0xda: {  	v4 =	vsel vm1, $0x1, v2;
	v3 =	vld [tilespmem:$0x0]  }
0xdb: {  	(xrf0) =	vadd.scan.msk.s32 $0xffff, v4;
	v4 =	vld [tilespmem:$0x6400];
	_ =	sdelay $0x3  }
0xdc: {  	v3 =	vnsel vm0, $0x80000000, v3  }
0xdd: {  	v4 =	vnsel vm0, $0x80000000, v4;
	v3 =	vxor.u32 $0x80000000, v3  }
0xde: {  	v5, _, _ =	vpop (xrf0);
	(xrf0) =	vmax.scan.msk.u32 $0xffff, v3;
	v3 =	vxor.u32 $0x80000000, v4  }
0xdf: {  	(xrf0) =	vmax.scan.msk.u32 $0xffff, v3;
	_ =	sdelay $0x1  }
0xe0: {  	(v2sf) =	vpush v5, $0xF;
	_ =	sdelay $0x2  }
0xe1: {  	v3, _, _ =	vpop (xrf0)  }
0xe2: {  	(v2sf) =	vpush v3, $0xF;
	v3, _, _ =	vpop (xrf0)  }
0xe3: {  	(v2sf) =	vpush v3, $0xF;
	_ =	sdelay $0x9  }
0xe4: {  	s13 =	spop (v2sf)  }
0xe5: {  	s5 =	sadd.s32 s3, s13  }
0xe6: {  	s3 =	sand.u32 $0xF, s5  }
0xe7: {  	p0 =	seq.s32 s3, $0x0  }
0xe8: {  	s8 =	sand.u32 @!p0 $0xFFFFFFF0, s5;
	v3 =	vlaneseq.u32 @!p0;
	s14 =	spop (v2sf)  }
0xe9: {  	s9 =	sadd.s32 $0xFF, s5;
	v4 =	vor.u32 @!p0 s8, v3;
	s3 =	sxor.u32 $0x80000000, s14;
	s15 =	spop (v2sf)  }
0xea: {  	v5 =	vld @!p0 [tilespmem:s8+$0x0];
	vm1 =	vlt.s32 @!p0 v4, s5;
	s5 =	sadd.s32 $0xF, s5;
	v3 =	vmov s3;
	s7 =	sxor.u32 $0x80000000, s15;
	s3 =	sshra.s32 s9, $0x8  }
0xeb: {  	v6 =	vld @!p0 [tilespmem:s8+$0x6400];
	s5 =	sshra.s32 s5, $0x4;
	v4 =	vmov s7;
	s7 =	sshll.u32 s3, $0x4  }
0xec: {  	p1 =	sle.s32 s7, s5  }
.Ltmp4:
0xed: {  	_ = 	snop;
	(pc) =	sbr.rel @p1 .LBB2_8-.Ltmp4, $4  }
0xee: {  	_ = 	snop  }
0xef: {  	v5 =	vsel @!p0 vm1, v5, v3  }
0xf0: {  	[tilespmem:s8+$0x0] =	vst @!p0 v5;
	v5 =	vsel @!p0 vm1, v6, v4  }
0xf1: {  	[tilespmem:s8+$0x6400] =	vst @!p0 v5  }
0xf2: {  	s7 =	ssub.s32 s7, s5  }
0xf3: {  	p0 =	sne.s32 s7, $0x1  }
.Ltmp5:
0xf4: {  	_ = 	snop;
	(pc) =	sbr.rel @!p0 .LBB2_8-.Ltmp5, $4  }
0xf5: {  	s8 =	sshll.u32 s5, $0x6  }
0xf6: {  	s8 =	sshra.s32 s8, $0x2  }
0xf7: {  	s5 =	sadd.s32 $0x6400, s8;
	[tilespmem:s8+$0x0] =	vst v3  }
0xf8: {  	s7 =	sadd.s32 $0xFFFFFFFF, s7;
	s8 =	sadd.s32 $0x10, s8;
	[tilespmem:s5+$0x0] =	vst v4  }
.LBB2_7:
0xf9: {  	[tilespmem:s8+$0x0] =	vst v3;
	s5 =	sadd.s32 $0x10, s5;
	p0 =	sne.s32 s7, $0x1  }
.Ltmp6:
0xfa: {  	s7 =	sadd.s32 $0xFFFFFFFF, s7;
	[tilespmem:s5+$0x0] =	vst v4;
	(pc) =	sbr.rel @p0 .LBB2_7-.Ltmp6, $2  }
0xfb: {  	_ =	sdelay $0x2  }
0xfc: {  	s8 =	sadd.s32 $0x10, s8  }
.LBB2_8:
0xfd: {  	p0 =	slt.s32 s3, $0x1  }
0xfe: {  	s5 =	simm.s32 @!p0 $0x100  }
0xff: {  	s7 =	simm.s32 @!p0 $0x0;
	s8 =	simm.s32 @!p0 $0x14800;
	p1 =	seq.s32 @!p0 s3, $0x1  }
0x100: {  	[tilespmem:s8], [sflag:$0x2] =	stream.indirect.gather @!p0 [hbm4b:s4+s5], $0x40, s7, s5, $0xb8;
	[tilespmem:$0x1C800] =	vst v63  }
0x101: {  	p2 =	por p1, p0  }
0x102: {  	s5 =	simm.s32 @!p2 $0x100;
	s7 =	simm.s32 @!p2 $0x18800  }
0x103: {  	[tilespmem:s7], [sflag:$0x3] =	stream.indirect.gather @!p2 [hbm4b:s4+s5], $0x40, s5, s5, $0xb8;
	[tilespmem:$0x1C800] =	vst v63  }
0x104: {  	s5 =	simm.s32 $0x1  }
0x105: {  	_ =	swait.ge [sflag:s5], $0x8000  }
0x106: {  	[sflag:s5] =	ssyncset.done $0x0  }
0x107: {  	[sflag:s5] =	ssyncadd.s32 $0xFFFF8000  }
0x108: {  	_ =	swait.ge [sflag:s5], $0x8000  }
0x109: {  	[sflag:s5] =	ssyncset.done $0x0  }
0x10a: {  	[sflag:s5] =	ssyncadd.s32 $0xFFFF8000  }
0x10b: {  	_ =	swait.ge [sflag:s5], $0x8000  }
0x10c: {  	[sflag:s5] =	ssyncset.done $0x0  }
0x10d: {  	[sflag:s5] =	ssyncadd.s32 $0xFFFF8000  }
0x10e: {  	_ =	swait.ge [sflag:s5], $0x8000  }
0x10f: {  	[sflag:s5] =	ssyncset.done $0x0  }
0x110: {  	[sflag:s5] =	ssyncadd.s32 $0xFFFF8000  }
0x111: {  	_ =	swait.ge [sflag:s5], $0x8000  }
0x112: {  	[sflag:s5] =	ssyncset.done $0x0  }
0x113: {  	[sflag:s5] =	ssyncadd.s32 $0xFFFF8000  }
0x114: {  	_ =	swait.ge [sflag:s5], $0x8000  }
0x115: {  	[sflag:s5] =	ssyncset.done $0x0  }
0x116: {  	[sflag:s5] =	ssyncadd.s32 $0xFFFF8000  }
0x117: {  	_ =	swait.ge [sflag:s5], $0x8000  }
0x118: {  	[sflag:s5] =	ssyncset.done $0x0  }
0x119: {  	[sflag:s5] =	ssyncadd.s32 $0xFFFF8000  }
0x11a: {  	_ =	swait.ge [sflag:s5], $0x8000  }
0x11b: {  	[sflag:s5] =	ssyncset.done $0x0  }
0x11c: {  	[sflag:s5] =	ssyncadd.s32 $0xFFFF8000  }
0x11d: {  	_ =	swait.ge [sflag:s5], $0x8000  }
0x11e: {  	[sflag:s5] =	ssyncset.done $0x0  }
0x11f: {  	[sflag:s5] =	ssyncadd.s32 $0xFFFF8000  }
0x120: {  	_ =	swait.ge [sflag:s5], $0x8000  }
0x121: {  	[sflag:s5] =	ssyncset.done $0x0  }
0x122: {  	[sflag:s5] =	ssyncadd.s32 $0xFFFF8000  }
0x123: {  	_ =	swait.ge [sflag:s5], $0x8000  }
0x124: {  	[sflag:s5] =	ssyncset.done $0x0  }
0x125: {  	[sflag:s5] =	ssyncadd.s32 $0xFFFF8000  }
0x126: {  	_ =	swait.ge [sflag:s5], $0x8000  }
0x127: {  	[sflag:s5] =	ssyncset.done $0x0  }
0x128: {  	[sflag:s5] =	ssyncadd.s32 $0xFFFF8000  }
0x129: {  	_ =	swait.ge [sflag:s5], $0x8000  }
0x12a: {  	[sflag:s5] =	ssyncset.done $0x0  }
0x12b: {  	[sflag:s5] =	ssyncadd.s32 $0xFFFF8000  }
0x12c: {  	_ =	swait.ge [sflag:s5], $0x8000  }
0x12d: {  	[sflag:s5] =	ssyncset.done $0x0  }
0x12e: {  	[sflag:s5] =	ssyncadd.s32 $0xFFFF8000  }
0x12f: {  	_ =	swait.ge [sflag:s5], $0x8000  }
0x130: {  	[sflag:s5] =	ssyncset.done $0x0  }
0x131: {  	[sflag:s5] =	ssyncadd.s32 $0xFFFF8000  }
0x132: {  	_ =	swait.ge [sflag:s5], $0x8000  }
0x133: {  	[sflag:s5] =	ssyncset.done $0x0  }
0x134: {  	[sflag:s5] =	ssyncadd.s32 $0xFFFF8000  }
0x135: {  	_ =	swait.ge [sflag:s5], $0x8000  }
0x136: {  	[sflag:s5] =	ssyncset.done $0x0  }
0x137: {  	[sflag:s5] =	ssyncadd.s32 $0xFFFF8000  }
0x138: {  	_ =	swait.ge [sflag:s5], $0x8000  }
0x139: {  	[sflag:s5] =	ssyncset.done $0x0  }
0x13a: {  	[sflag:s5] =	ssyncadd.s32 $0xFFFF8000  }
0x13b: {  	_ =	swait.ge [sflag:s5], $0x8000  }
0x13c: {  	[sflag:s5] =	ssyncset.done $0x0  }
0x13d: {  	[sflag:s5] =	ssyncadd.s32 $0xFFFF8000  }
0x13e: {  	_ =	swait.ge [sflag:s5], $0x8000  }
0x13f: {  	[sflag:s5] =	ssyncset.done $0x0  }
0x140: {  	[sflag:s5] =	ssyncadd.s32 $0xFFFF8000  }
0x141: {  	_ =	swait.ge [sflag:s5], $0x8000  }
0x142: {  	[sflag:s5] =	ssyncset.done $0x0  }
0x143: {  	[sflag:s5] =	ssyncadd.s32 $0xFFFF8000  }
0x144: {  	_ =	swait.ge [sflag:s5], $0x8000  }
0x145: {  	[sflag:s5] =	ssyncset.done $0x0  }
0x146: {  	[sflag:s5] =	ssyncadd.s32 $0xFFFF8000  }
0x147: {  	_ =	swait.ge [sflag:s5], $0x8000  }
0x148: {  	[sflag:s5] =	ssyncset.done $0x0  }
0x149: {  	[sflag:s5] =	ssyncadd.s32 $0xFFFF8000  }
0x14a: {  	_ =	swait.ge [sflag:s5], $0x8000  }
0x14b: {  	[sflag:s5] =	ssyncset.done $0x0  }
0x14c: {  	[sflag:s5] =	ssyncadd.s32 $0xFFFF8000  }
0x14d: {  	_ =	swait.ge [sflag:s5], $0x8000  }
0x14e: {  	[sflag:s5] =	ssyncset.done $0x0  }
0x14f: {  	[sflag:s5] =	ssyncadd.s32 $0xFFFF8000  }
0x150: {  	_ =	swait.ge [sflag:s5], $0x8000  }
0x151: {  	[sflag:s5] =	ssyncset.done $0x0  }
0x152: {  	[sflag:s5] =	ssyncadd.s32 $0xFFFF8000  }
0x153: {  	_ =	swait.ge [sflag:s5], $0x8000  }
0x154: {  	[sflag:s5] =	ssyncset.done $0x0  }
0x155: {  	[sflag:s5] =	ssyncadd.s32 $0xFFFF8000  }
0x156: {  	_ =	swait.ge [sflag:s5], $0x8000  }
0x157: {  	[sflag:s5] =	ssyncset.done $0x0  }
0x158: {  	[sflag:s5] =	ssyncadd.s32 $0xFFFF8000  }
0x159: {  	_ =	swait.ge [sflag:s5], $0x8000  }
0x15a: {  	[sflag:s5] =	ssyncset.done $0x0  }
0x15b: {  	[sflag:s5] =	ssyncadd.s32 $0xFFFF8000  }
0x15c: {  	_ =	swait.ge [sflag:s5], $0x8000  }
0x15d: {  	[sflag:s5] =	ssyncset.done $0x0  }
0x15e: {  	[sflag:s5] =	ssyncadd.s32 $0xFFFF8000  }
0x15f: {  	_ =	swait.ge [sflag:s5], $0x8000  }
0x160: {  	[sflag:s5] =	ssyncset.done $0x0  }
0x161: {  	[sflag:s5] =	ssyncadd.s32 $0xFFFF8000  }
0x162: {  	_ =	swait.ge [sflag:s5], $0x8000  }
0x163: {  	[sflag:s5] =	ssyncset.done $0x0  }
0x164: {  	[sflag:s5] =	ssyncadd.s32 $0xFFFF8000  }
0x165: {  	_ =	swait.ge [sflag:s5], $0x8000  }
0x166: {  	[sflag:s5] =	ssyncset.done $0x0  }
0x167: {  	[sflag:s5] =	ssyncadd.s32 $0xFFFF8000  }
0x168: {  	_ =	swait.ge [sflag:s5], $0x8000  }
0x169: {  	[sflag:s5] =	ssyncset.done $0x0  }
0x16a: {  	[sflag:s5] =	ssyncadd.s32 $0xFFFF8000  }
0x16b: {  	_ =	swait.ge [sflag:s5], $0x8000  }
0x16c: {  	[sflag:s5] =	ssyncset.done $0x0  }
0x16d: {  	[sflag:s5] =	ssyncadd.s32 $0xFFFF8000  }
0x16e: {  	_ =	swait.ge [sflag:s5], $0x8000  }
0x16f: {  	[sflag:s5] =	ssyncset.done $0x0  }
0x170: {  	[sflag:s5] =	ssyncadd.s32 $0xFFFF8000  }
0x171: {  	_ =	swait.ge [sflag:s5], $0x8000  }
0x172: {  	[sflag:s5] =	ssyncset.done $0x0  }
0x173: {  	[sflag:s5] =	ssyncadd.s32 $0xFFFF8000  }
0x174: {  	_ =	swait.ge [sflag:s5], $0x8000  }
0x175: {  	[sflag:s5] =	ssyncset.done $0x0  }
0x176: {  	[sflag:s5] =	ssyncadd.s32 $0xFFFF8000  }
0x177: {  	_ =	swait.ge [sflag:s5], $0x8000  }
0x178: {  	[sflag:s5] =	ssyncset.done $0x0  }
0x179: {  	[sflag:s5] =	ssyncadd.s32 $0xFFFF8000  }
0x17a: {  	_ =	swait.ge [sflag:s5], $0x8000  }
0x17b: {  	[sflag:s5] =	ssyncset.done $0x0  }
0x17c: {  	[sflag:s5] =	ssyncadd.s32 $0xFFFF8000  }
0x17d: {  	_ =	swait.ge [sflag:s5], $0x8000  }
0x17e: {  	[sflag:s5] =	ssyncset.done $0x0  }
0x17f: {  	[sflag:s5] =	ssyncadd.s32 $0xFFFF8000  }
0x180: {  	_ =	swait.ge [sflag:s5], $0x8000  }
0x181: {  	[sflag:s5] =	ssyncset.done $0x0  }
0x182: {  	[sflag:s5] =	ssyncadd.s32 $0xFFFF8000  }
0x183: {  	_ =	swait.ge [sflag:s5], $0x8000  }
0x184: {  	[sflag:s5] =	ssyncset.done $0x0  }
0x185: {  	[sflag:s5] =	ssyncadd.s32 $0xFFFF8000  }
0x186: {  	_ =	swait.ge [sflag:s5], $0x8000  }
0x187: {  	[sflag:s5] =	ssyncset.done $0x0  }
0x188: {  	[sflag:s5] =	ssyncadd.s32 $0xFFFF8000  }
0x189: {  	_ =	swait.ge [sflag:s5], $0x8000  }
0x18a: {  	[sflag:s5] =	ssyncset.done $0x0  }
0x18b: {  	[sflag:s5] =	ssyncadd.s32 $0xFFFF8000  }
0x18c: {  	_ =	swait.ge [sflag:s5], $0x8000  }
0x18d: {  	[sflag:s5] =	ssyncset.done $0x0  }
0x18e: {  	[sflag:s5] =	ssyncadd.s32 $0xFFFF8000  }
0x18f: {  	_ =	swait.ge [sflag:s5], $0x8000  }
0x190: {  	[sflag:s5] =	ssyncset.done $0x0  }
0x191: {  	[sflag:s5] =	ssyncadd.s32 $0xFFFF8000  }
0x192: {  	_ =	swait.ge [sflag:s5], $0x8000  }
0x193: {  	s15 =	sadd.s32 $0x1, s3;
	[sflag:s5] =	ssyncset.done $0x0  }
0x194: {  	s7 =	sshra.s32 s15, $0x1;
	[sflag:s5] =	ssyncadd.s32 $0xFFFF8000  }
0x195: {  	p3 =	slt.s32 s7, $0x1;
	_ =	swait.ge [sflag:s5], $0x8000  }
.Ltmp7:
0x196: {  	[sflag:s5] =	ssyncset.done $0x0;
	(pc) =	sbr.rel @p3 .LBB2_16-.Ltmp7, $4  }
0x197: {  	[sflag:s5] =	ssyncadd.s32 $0xFFFF8000  }
0x198: {  	_ =	swait.ge [sflag:s5], $0x8000  }
0x199: {  	[sflag:s5] =	ssyncset.done $0x0  }
0x19a: {  	[sflag:s5] =	ssyncadd.s32 $0xFFFF8000  }
0x19b: {  	s7 =	sadd.s32 $0xFFFFFFFF, s7  }
0x19c: {  	p4 =	sne.s32 s7, $0x0  }
.Ltmp8:
0x19d: {  	_ = 	snop;
	(pc) =	sbr.rel @!p4 .LBB2_10-.Ltmp8, $3  }
0x19e: {  	_ =	sdelay $0x1  }
0x19f: {  	s8 =	simm.s32 $0x6400  }
0x1a0: {  	s10 =	simm.s32 $0x200;
	s13 =	simm.s32 $0x0;
	p3 =	por $0x0, $0x0  }
0x1a1: {  	p4 =	sle.s32 s3, $0x0  }
0x1a2: {  	s5 =	simm.s32 @!p4 $0x2  }
0x1a3: {  	_ =	swait.ge @!p4 [sflag:s5], $0x4000  }
0x1a4: {  	p3 =	sle.s32 s3, $0x1;
	s9 =	simm.s32 @!p4 $0x14800;
	[sflag:s5] =	ssyncset.done @!p4 $0x0  }
0x1a5: {  	s11 =	simm.s32 @!p4 $0x100;
	s12 =	simm.s32 @!p3 $0x3;
	[sflag:s5] =	ssyncadd.s32 @!p4 $0xFFFFC000  }
0x1a6: {  	[hbm4b:s2+s11] =	stream.indirect.scatter @!p4 [tilespmem:s9], [sflag:$0x4], $0x40, s8, s11, $0xb8;
	[tilespmem:$0x1C800] =	vst v63  }
0x1a7: {  	s5 =	simm.s32 @!p3 $0x18800;
	s9 =	sadd.s32 $0xFFFFFFFF, s7;
	_ =	swait.ge @!p3 [sflag:s12], $0x4000  }
0x1a8: {  	s7 =	simm.s32 @!p3 $0x6500;
	p4 =	sle.s32 s3, $0x2;
	[sflag:s12] =	ssyncset.done @!p3 $0x0  }
0x1a9: {  	s8 =	simm.s32 @!p3 $0x100;
	s11 =	simm.s32 @!p4 $0x4;
	[sflag:s12] =	ssyncadd.s32 @!p3 $0xFFFFC000  }
0x1aa: {  	[hbm4b:s2+s8] =	stream.indirect.scatter @!p3 [tilespmem:s5], [sflag:$0x5], $0x40, s7, s8, $0xb8;
	[tilespmem:$0x1C800] =	vst v63  }
0x1ab: {  	s13 =	simm.s32 $0x2;
	p5 =	sne.s32 s9, $0x0;
	_ =	swait.ge @!p4 [sflag:s11], $0x4000  }
.Ltmp9:
0x1ac: {  	s7 =	simm.s32 $0x400;
	[sflag:s11] =	ssyncset.done @!p4 $0x0;
	(pc) =	sbr.rel @!p5 .LBB2_12-.Ltmp9, $4  }
0x1ad: {  	s5 =	simm.s32 @!p4 $0x14800;
	[sflag:s11] =	ssyncadd.s32 @!p4 $0xFFFFC000;
	s11 =	simm.s32 @!p4 $0x100  }
0x1ae: {  	[tilespmem:s5], [sflag:$0x2] =	stream.indirect.gather @!p4 [hbm4b:s4+s11], $0x40, s10, s11, $0xb8;
	[tilespmem:$0x1C800] =	vst v63  }
0x1af: {  	s8 =	simm.s32 $0x6600;
	p3 =	por $0x1, $0x1;
	p4 =	sle.s32 s3, $0x3  }
0x1b0: {  	s5 =	simm.s32 $0x3;
	s11 =	simm.s32 @!p4 $0x5;
	s12 =	simm.s32 @!p4 $0x18800  }
.LBB2_13:
0x1b1: {  	p6 =	sge.s32 s13, s3;
	_ =	swait.ge @!p4 [sflag:s11], $0x4000;
	s13 =	simm.s32 @!p4 $0x100  }
0x1b2: {  	s15 =	sadd.s32 @!p4 $0x100, s10;
	s14 =	simm.s32 @!p6 $0x2;
	[sflag:s11] =	ssyncset.done @!p4 $0x0  }
0x1b3: {  	s9 =	sadd.s32 $0xFFFFFFFF, s9;
	s10 =	smov.u32 s7;
	[sflag:s11] =	ssyncadd.s32 @!p4 $0xFFFFC000  }
0x1b4: {  	[tilespmem:s12], [sflag:$0x3] =	stream.indirect.gather @!p4 [hbm4b:s4+s13], $0x40, s15, s13, $0xb8;
	[tilespmem:$0x1C800] =	vst v63  }
0x1b5: {  	s11 =	simm.s32 @!p6 $0x14800;
	p4 =	sge.s32 s5, s3;
	_ =	swait.ge @!p6 [sflag:s14], $0x4000  }
0x1b6: {  	s12 =	simm.s32 @!p6 $0x100;
	s13 =	simm.s32 @!p4 $0x3;
	[sflag:s14] =	ssyncset.done @!p6 $0x0  }
0x1b7: {  	s7 =	sadd.s32 $0x200, s7;
	p5 =	sne.s32 s9, $0x0;
	[sflag:s14] =	ssyncadd.s32 @!p6 $0xFFFFC000  }
0x1b8: {  	[hbm4b:s2+s12] =	stream.indirect.scatter @!p6 [tilespmem:s11], [sflag:$0x4], $0x40, s8, s12, $0xb8;
	[tilespmem:$0x1C800] =	vst v63  }
0x1b9: {  	s11 =	simm.s32 @!p4 $0x18800;
	s12 =	sadd.s32 $0x1, s5;
	_ =	swait.ge @!p4 [sflag:s13], $0x4000  }
0x1ba: {  	s14 =	sadd.s32 @!p4 $0x100, s8;
	p6 =	sge.s32 s12, s3;
	[sflag:s13] =	ssyncset.done @!p4 $0x0  }
0x1bb: {  	s12 =	simm.s32 @!p4 $0x100;
	[sflag:s13] =	ssyncadd.s32 @!p4 $0xFFFFC000;
	s13 =	simm.s32 @!p6 $0x4  }
0x1bc: {  	[hbm4b:s2+s12] =	stream.indirect.scatter @!p4 [tilespmem:s11], [sflag:$0x5], $0x40, s14, s12, $0xb8;
	[tilespmem:$0x1C800] =	vst v63  }
.Ltmp10:
0x1bd: {  	s8 =	sadd.s32 $0x200, s8;
	_ =	swait.ge @!p6 [sflag:s13], $0x4000;
	(pc) =	sbr.rel @p5 .LBB2_13-.Ltmp10, $4  }
0x1be: {  	s5 =	sadd.s32 $0x2, s5;
	s11 =	simm.s32 @!p6 $0x14800;
	[sflag:s13] =	ssyncset.done @!p6 $0x0  }
0x1bf: {  	s12 =	simm.s32 @!p6 $0x100;
	p4 =	sge.s32 s5, s3;
	[sflag:s13] =	ssyncadd.s32 @!p6 $0xFFFFC000  }
0x1c0: {  	[tilespmem:s11], [sflag:$0x2] =	stream.indirect.gather @!p6 [hbm4b:s4+s12], $0x40, s10, s12, $0xb8;
	[tilespmem:$0x1C800] =	vst v63  }
0x1c1: {  	s13 =	sadd.s32 $0xFFFFFFFF, s5;
	s11 =	simm.s32 @!p4 $0x5;
	s12 =	simm.s32 @!p4 $0x18800  }
.Ltmp11:
0x1c2: {  	(pc) =	sbr.rel .LBB2_15-.Ltmp11, $2  }
0x1c3: {  	_ =	sdelay $0x2  }
0x1c4: {  	s9 =	smov.u32 s10;
	s10 =	smov.u32 s7  }
.LBB2_12:
.Ltmp12:
0x1c5: {  	(pc) =	sbr.rel .LBB2_15-.Ltmp12, $2  }
0x1c6: {  	_ =	sdelay $0x2  }
0x1c7: {  	s9 =	simm.s32 $0x200;
	s10 =	simm.s32 $0x400  }
.LBB2_17:
0x1c8: {  	_ =	sfence.sel $0x180000  }
0x1c9: {  	[bflag:$0x0] =	sbarrier.arrive $0xFFFF  }
0x1ca: {  	_ =	strace $0x90000047  }
0x1cb: {  	s0 =	stileid.u32;
	[bflag:$0x2] =	sbarrier.arrive $0xFFFF  }
0x1cc: {  	p0 =	sne.s32 s0, $0x0;
	s0 =	rddreg [dreg:$0x2]  }
0x1cd: {  	s0 =	sadd.s32 @!p0 $0x100000, s0  }
0x1ce: {  	[sflag:s0] =	ssyncadd.tile.s32 @!p0 $0x1;
	_ =	shalt  }
.Lfunc_end2:
_tile_overlayer_lowered:
.L_overlay_start_2:
0x1cf: {  	(tag) =	ssettag $0x2  }
0x1d0: {  	s0 =	rddreg [dreg:$0x0];
	s2 =	stileid.u32  }
0x1d1: {  	s1 =	rddreg [dreg:$0x1];
	p0 =	sne.s32 s2, $0x0  }
0x1d2: {  	s3 =	rddreg [dreg:$0x2];
	[bflag:$0x3] =	sbarrier.arrive $0xFFFF;
	s2 =	simm.s32 @!p0 $0x1C06  }
0x1d3: {  	[timem:s3], [sflag:s2] =	dma.local @!p0 [hbm:s0], s1  }
0x1d4: {  	s0 =	simm.s32 @!p0 $0x6  }
0x1d5: {  	_ =	swait.ge @!p0 [sflag:s0], s1  }
0x1d6: {  	s1 =	ssub.s32 @!p0 $0x0, s1;
	[sflag:s0] =	ssyncset.done @!p0 $0x0  }
0x1d7: {  	[sflag:s0] =	ssyncadd.s32 @!p0 s1  }
0x1d8: {  	[bflag:$0x3] =	sbarrier.arrive $0xFFFF  }
0x1d9: {  	_ =	shalt  }

// kernel: sparse-core-data-format-call.cloned.1.call-start
scs
called_computation_lowered:
.L_overlay_start_0:
0x0: {  	s2 =	sld [smem:$0x3FD9]  }
0x1: {  	s3 =	sld [smem:$0x3FFE];
	_ =	sdelay $0x1  }
0x2: {  	s1 =	srdreg.scid  }
0x3: {  	s0 =	sand.u32 $0x1, s1  }
0x4: {  	s18 =	sshll.u32 s0, $0xA;
	s2 =	sadd.s32 s3, s2  }
0x5: {  	s2 =	sadd.s32 s2, s18  }
0x6: {  	[smem:$0x3FC6] =	sst s2  }
0x7: {  	_ = 	snop  }
0x8: {  	s2 =	sld [smem:$0x3FD0];
	(tm) =	ssettm $0x1  }
0x9: {  	s19 =	sld [smem:$0x3FFB];
	_ =	sdelay $0x3  }
0xa: {  	_ =	strace s19  }
0xb: {  	s3 =	sld [smem:$0x3FFC];
	_ =	sdelay $0x3  }
0xc: {  	_ =	strace s3  }
0xd: {  	s3 =	sld [smem:$0x3FFD];
	_ =	sdelay $0x3  }
0xe: {  	_ =	strace s3  }
0xf: {  	_ =	strace $0x8FFFFFFF  }
0x10: {  	s20 =	sld [smem:$0x3FDB];
	_ =	sdelay $0x1  }
0x11: {  	s4 =	simm.s32 $_scs_section_size  }
0x12: {  	s5 =	simm.s32 $_size__tile_overlayer_lowered;
	s6 =	simm.s32 $_tile_overlayer_lowered  }
0x13: {  	s23 =	simm.s32 $0x1BFF;
	s22 =	sshll.u32 s6, $0x1;
	s3 =	sadd.s32 s4, s20  }
0x14: {  	s7 =	simm.s32 $0x0;
	s21 =	sshll.u32 s5, $0x1;
	s5 =	sadd.s32 s22, s3  }
0x15: {  	[timem:s7], [sflag:s23] =	dma.local [hbm:s5], s21  }
0x16: {  	_ =	swait.ge [sflag:s23], s21  }
0x17: {  	s4 =	ssub.s32 $0x0, s21;
	[sflag:s23] =	ssyncset.done $0x0  }
0x18: {  	[sflag:s23] =	ssyncadd.s32 s4;
	_ =	sdelay $0x1  }
0x19: {  	s24 =	simm.s32 $0x1B8B  }
0x1a: {  	_ =	swait.ge [sflag:s24], $0x1  }
0x1b: {  	[sflag:s24] =	ssyncset.done $0x0  }
0x1c: {  	s26 =	simm.s32 $0x1B8E;
	s25 =	sld [smem:$0x3FFE];
	[sflag:s24] =	ssyncadd.s32 $0xFFFFFFFF  }
0x1d: {  	s27 =	simm.s32 $execute0_lowered;
	[smem:$0x3FD2] =	sst s26  }
0x1e: {  	s5 =	sshll.u32 s27, $0x1;
	_ =	strace $0x80000049;
	[dreg:$0x1] =	wrdreg $0xFFFFFFFF  }
0x1f: {  	s28 =	simm.s32 $_size_execute0_lowered;
	s3 =	sadd.s32 s3, s5;
	[dreg:$0x0] =	wrdreg $0x0  }
0x20: {  	s5 =	sshll.u32 s28, $0x1;
	[dreg:$0x2] =	wrdreg s3  }
0x21: {  	[dreg:$0x3] =	wrdreg s5  }
0x22: {  	[dreg:$0x4] =	wrdreg $0xC0  }
0x23: {  	_ =	task [dreg:s7], $0x5FFFF  }
0x24: {  	[dreg:$0x1] =	wrdreg $0xFFFFFFFF  }
0x25: {  	[dreg:$0x0] =	wrdreg $0x60  }
0x26: {  	[dreg:$0x2] =	wrdreg s25  }
0x27: {  	[dreg:$0x3] =	wrdreg s2  }
0x28: {  	[dreg:$0x4] =	wrdreg $0x9  }
0x29: {  	_ =	task.clear_ibuf [dreg:s7], $0x5FFFF;
	_ =	strace $0x90000049  }
0x2a: {  	s29 =	simm.s32 $0x9;
	_ =	strace $0x8000004B  }
0x2b: {  	_ =	swait.ge [sflag:s29], $0x1  }
0x2c: {  	[sflag:s29] =	ssyncadd.s32 $0xFFFFFFFF  }
0x2d: {  	_ =	strace $0x9000004B  }
0x2e: {  	_ =	sfence  }
0x2f: {  	s30 =	sld [smem:$0x0];
	_ =	sdelay $0x2  }
0x30: {  	s31 =	sshll.u32 s1, $0xD;
	s1 =	sshrl.u32 s1, $0x2  }
0x31: {  	s3 =	sand.u32 $0x4000, s31;
	s1 =	sadd.s32 s1, s30  }
0x32: {  	s0 =	sor.u32 s3, s0;
	s1 =	sshll.u32 s1, $0x11  }
0x33: {  	s0 =	sor.u32 s1, s0  }
0x34: {  	s0 =	sadd.s32 $0x8F2B, s0  }
0x35: {  	[sflag:s0] =	ssyncadd.remote.s32 $0x1  }
0x36: {  	_ =	sfence.sel $0xFFFF  }
0x37: {  	[dreg:$0x0] =	wrdreg $0xFFFFFFFF;
	(pc) =	sbr.abs _section_cstart, $3  }
0x38: {  	[dreg:$0x1] =	wrdreg $0xFFFFFFFF  }
0x39: {  	_ =	task.clear_ibuf [dreg:s7], $0x2FFFF;
	_ =	strace $0x9FFFFFFF  }
0x3a: {  	(tm) =	ssettm $0x7FFFFFFF  }
0x3b: {  	_ =	shalt  }
tec
execute0_lowered:
.L_overlay_start_1:
0x0: {  	(tag) =	ssettag $0x1  }
0x1: {  	s0 =	srdreg.scid  }
0x2: {  	s1 =	sshll.u32 s0, $0x4  }
0x3: {  	s0 =	stileid.u32;
	s1 =	sand.u32 $0x10, s1  }
0x4: {  	s1 =	sor.u32 s0, s1  }
0x5: {  	s6 =	rddreg [dreg:$0x0];
	s4 =	simm.s32 $0x1;
	s2 =	sshll.u32 s1, $0x7  }
0x6: {  	s7 =	simm.s32 $0x2;
	s12 =	simm.s32 $0x0;
	s1 =	ssub.s32 $0x1000, s2  }
0x7: {  	s8 =	simm.s32 $0x8000;
	s13 =	simm.s32 $0x0;
	s3 =	sand.u32 $0xF80, s1  }
0x8: {  	s9 =	simm.s32 $0x0;
	s5 =	sshrl.u32 s1, $0xC;
	p0 =	sne.s32 s3, $0x0  }
.Ltmp0:
0x9: {  	s1 =	rddreg [dreg:$0x2];
	s4 =	simm.s32 @!p0 $0x0;
	(pc) =	sbr.rel .LBB1_1-.Ltmp0, $4  }
0xa: {  	s11 =	simm.s32 $0x0;
	s3 =	rddreg [dreg:$0x1];
	s5 =	sadd.s32 s4, s5  }
0xb: {  	_ =	strace $0x8000004A;
	s4 =	simm.s32 $0x1;
	s5 =	smul.u32 $0xC8, s5  }
0xc: {  	s6 =	sadd.s32 $0x800, s6;
	s10 =	smov.u32 s2;
	[sflag:s4] =	ssyncpa.u1 $0x0  }
0xd: {  	p0 =	por $0x0, $0x0;
	[sflag:s7] =	ssyncpa.u1 $0x0;
	s7 =	sor.u32 $0x1, s5  }
.LBB1_4:
0xe: {  	s16 =	sshll.u32 s13, $0x3;
	s17 =	sand.u32 $0x78, s13  }
0xf: {  	s30 =	sand.u32 $0x7E00, s13;
	s12 =	sshll.u32 s12, $0xF;
	s16 =	sand.u32 $0xC00, s16  }
0x10: {  	[tilespmem:s15+$0x810 ss:$0x81] =	vst.msk $0xffff, v2;
	s31 =	sand.u32 $0x7, s13;
	s16 =	sor.u32 s17, s16;
	s17 =	sadd.s32 s3, s30  }
0x11: {  	[tilespmem:s15+$0x1020 ss:$0x81] =	vst.msk $0xffff, v0;
	s13 =	sshll.u32 s31, $0x12;
	s12 =	sadd.s32 s12, s17;
	s16 =	sshrl.u32 s16, $0x3  }
0x12: {  	[tilespmem:s15+$0x0 ss:$0x81] =	vst.msk $0xffff, v1;
	s13 =	sor.u32 $0x400, s13;
	s12 =	sadd.s32 s16, s12  }
0x13: {  	[hbm4b:s12+s13] =	stream.strided.scatter [tilespmem:s14], [sflag:$0x2], $0x2000, s8, s13, $0x20;
	[tilespmem:$0x8080] =	vst v63  }
.LBB1_5:
0x14: {  	s14 =	sadd.s32 $0x1, s9  }
0x15: {  	s12 =	sadd.s32 $0x1000, s10;
	s16 =	smov.u32 s10;
	p2 =	sgt.s32 s14, $0xC7  }
0x16: {  	s16 =	smov.u32 @p2 s12  }
0x17: {  	s14 =	simm.s32 @p2 $0x0;
	p2 =	sgt.s32 s16, $0xFFF  }
0x18: {  	s16 =	smov.u32 @p2 s2;
	p2 =	sne.s32 s11, s7  }
.Ltmp1:
0x19: {  	p1 =	slt.u32 s11, $0x2;
	(pc) =	sbr.rel @!p2 .LBB1_6-.Ltmp1, $4  }
0x1a: {  	s15 =	simm.s32 @!p1 $0x2  }
0x1b: {  	s13 =	smov.u32 s10;
	p0 =	por !p0, !p0;
	_ =	swait.ge @!p1 [sflag:s15], $0x2000  }
0x1c: {  	s12 =	smov.u32 s9;
	[sflag:s15] =	ssyncset.done @!p1 $0x0;
	s9 =	smov.u32 s14  }
0x1d: {  	s11 =	sadd.s32 $0x1, s11;
	[sflag:s15] =	ssyncadd.s32 @!p1 $0xFFFFE000;
	s10 =	smov.u32 s16  }
.LBB1_1:
0x1e: {  	p1 =	sge.u32 s11, s5  }
0x1f: {  	s14 =	sand.u32 @!p1 $0x1FFFFFF, s9  }
0x20: {  	s15 =	smulhi.u32 @!p1 $0x147AE15, s14;
	_ =	sdelay $0x1  }
0x21: {  	s15 =	smul.u32 @!p1 $0xC8, s15  }
0x22: {  	s16 =	sxor.u32 @!p1 $0xFFFFFFFF, s11;
	s17 =	smul.u32 @!p1 $0xC80, s10  }
0x23: {  	s31 =	sadd.s32 $0xFFFFFFFF, s11;
	s16 =	sshll.u32 @!p1 s16, $0xD;
	s14 =	ssub.s32 @!p1 s14, s15  }
0x24: {  	s15 =	sand.u32 @!p1 $0x2000, s16;
	s16 =	sadd.s32 @!p1 s6, s17;
	s14 =	sshll.u32 @!p1 s14, $0x4  }
0x25: {  	s17 =	simm.s32 @!p1 $0x6400;
	s14 =	sadd.s32 @!p1 s14, s16;
	s16 =	simm.s32 @!p1 $0x40  }
0x26: {  	[tilespmem:s15], [sflag:$0x1] =	stream.strided.gather @!p1 [hbm4b:s14+s16], $0x2000, s17, s16, $0x38;
	[tilespmem:$0x8080] =	vst v63  }
0x27: {  	p1 =	sge.u32 s31, s5  }
.Ltmp2:
0x28: {  	_ = 	snop;
	(pc) =	sbr.rel @p1 .LBB1_5-.Ltmp2, $1  }
0x29: {  	_ =	sdelay $0x3  }
0x2a: {  	s14 =	simm.s32 $0x1  }
0x2b: {  	_ =	swait.ge [sflag:s4], $0x2000;
	s14 =	simm.s32 @!p0 $0x0  }
0x2c: {  	[sflag:s4] =	ssyncset.done $0x0;
	s15 =	sshll.u32 s14, $0xD  }
0x2d: {  	[sflag:s4] =	ssyncadd.s32 $0xFFFFE000;
	s18 =	sor.u32 $0x20, s15  }
0x2e: {  	s14 =	smul.u32 $0x8100, s14;
	v3 =	vld [tilespmem:s18+$0x10]  }
0x2f: {  	s30 =	sand.u32 $0x1, s11;
	v2 =	vld [tilespmem:s18+$0xFFFFFFF0]  }
0x30: {  	s15 =	smul.u32 $0x8100, s30;
	s14 =	sshrl.u32 s14, $0x2;
	v0 =	vld [tilespmem:s18+$0x0]  }
0x31: {  	v1 =	vld [tilespmem:s18+$0xFFFFFFE0];
	s16 =	sor.u32 $0x4000, s14  }
0x32: {  	s31 =	sshrl.u32 s15, $0x2;
	s15 =	sadd.s32 $0x0, s16  }
0x33: {  	s17 =	simm.s32 $0x4;
	s18 =	sadd.s32 $0x40, s18;
	s14 =	sor.u32 $0x4000, s31;
	[tilespmem:s15+$0x1830 ss:$0x81] =	vst.msk $0xffff, v3  }
.LBB1_3:
0x34: {  	v3 =	vld [tilespmem:s18+$0x10];
	p1 =	sne.s32 s17, $0x1FC;
	[tilespmem:s15+$0x810 ss:$0x81] =	vst.msk $0xffff, v2;
	s19 =	smov.u32 s17;
	s17 =	sadd.s32 $0x4, s17  }
.Ltmp3:
0x35: {  	v2 =	vld [tilespmem:s18+$0xFFFFFFF0];
	[tilespmem:s15+$0x1020 ss:$0x81] =	vst.msk $0xffff, v0;
	(pc) =	sbr.rel @p1 .LBB1_3-.Ltmp3, $4  }
0x36: {  	v0 =	vld [tilespmem:s18+$0x0];
	[tilespmem:s15+$0x0 ss:$0x81] =	vst.msk $0xffff, v1  }
0x37: {  	s15 =	sshra.s32 s19, $0x2;
	v1 =	vld [tilespmem:s18+$0xFFFFFFE0]  }
0x38: {  	s15 =	sadd.s32 s15, s16  }
0x39: {  	s18 =	sadd.s32 $0x40, s18;
	[tilespmem:s15+$0x1830 ss:$0x81] =	vst.msk $0xffff, v3  }
.Ltmp4:
0x3a: {  	_ = 	snop;
	(pc) =	sbr.rel .LBB1_4-.Ltmp4, $1  }
0x3b: {  	_ =	sdelay $0x3  }
.LBB1_6:
0x3c: {  	_ =	sfence.sel $0x180000  }
0x3d: {  	s2 =	simm.s32 $0x1;
	[bflag:$0x0] =	sbarrier.arrive $0xFFFF  }
0x3e: {  	s31 =	simm.s32 $0x2;
	[sflag:s2] =	ssyncpa.u1 $0x1  }
0x3f: {  	[sflag:s31] =	ssyncpa.u1 $0x1  }
0x40: {  	p0 =	sne.s32 s0, $0x0;
	_ =	strace $0x9000004A  }
0x41: {  	s0 =	sadd.s32 @!p0 $0x100000, s1;
	[bflag:$0x2] =	sbarrier.arrive $0xFFFF  }
0x42: {  	[sflag:s0] =	ssyncadd.tile.s32 @!p0 $0x1;
	_ =	shalt  }
.Lfunc_end1:
_tile_overlayer_lowered:
.L_overlay_start_2:
0x43: {  	(tag) =	ssettag $0x2  }
0x44: {  	s0 =	rddreg [dreg:$0x0];
	s2 =	stileid.u32  }
0x45: {  	s1 =	rddreg [dreg:$0x1];
	p0 =	sne.s32 s2, $0x0  }
0x46: {  	s3 =	rddreg [dreg:$0x2];
	[bflag:$0x3] =	sbarrier.arrive $0xFFFF;
	s2 =	simm.s32 @!p0 $0x1C01  }
0x47: {  	[timem:s3], [sflag:s2] =	dma.local @!p0 [hbm:s0], s1  }
0x48: {  	s0 =	simm.s32 @!p0 $0x1  }
0x49: {  	_ =	swait.ge @!p0 [sflag:s0], s1  }
0x4a: {  	s1 =	ssub.s32 @!p0 $0x0, s1;
	[sflag:s0] =	ssyncset.done @!p0 $0x0  }
0x4b: {  	[sflag:s0] =	ssyncadd.s32 @!p0 s1  }
0x4c: {  	[bflag:$0x3] =	sbarrier.arrive $0xFFFF  }
0x4d: {  	_ =	shalt  }

</sc_bundles>
